<compile_context>
chip_gen: v7x
topology: tpu7x:2x2x1
jax: 0.10.2.dev20260603
libtpu: 0.0.44.dev20260713+nightly
codegen_flags: <defaults>
</compile_context>

<pallas_src>
import functools

import jax
import jax.numpy as jnp
from jax import lax
from jax.experimental import pallas as pl
from jax.experimental.pallas import tpu as pltpu
from jax.experimental.pallas import tpu_sc as plsc

_D = 64
_V = 2048
_IV = 128
_K = 2
_W = _IV * _K
_T = 200
_NW = 32
_NB = 16384
_NREP = 8


def _build():
    mesh = plsc.VectorSubcoreMesh(core_axis_name="c", subcore_axis_name="s")
    n_t = _T

    @functools.partial(
        pl.kernel,
        mesh=mesh,
        out_type=jax.ShapeDtypeStruct((_T, 8, 128, 1024), jnp.float32),
        compiler_params=pltpu.CompilerParams(
            use_tc_tiling_on_sc=False, needs_layout_passes=False),
        scratch_types=[
            pltpu.VMEM((_W,), jnp.int32),
            pltpu.VMEM((_W,), jnp.int32),
            pltpu.VMEM((_W, _D), jnp.float32),
            pltpu.VMEM((_W, _D), jnp.float32),
            pltpu.VMEM((8, 2, 1024), jnp.float32),
            pltpu.VMEM((8, 2, 1024), jnp.float32),
            pltpu.SemaphoreType.DMA,
            pltpu.SemaphoreType.DMA,
            pltpu.SemaphoreType.DMA,
        ],
    )
    def gather_kernel(table_hbm, xt_hbm, out_hbm, idx0, idx1, rows0, rows1,
                      tr0, tr1, isem, gsem, osem):
        wid = lax.axis_index("s") * 2 + lax.axis_index("c")
        b0 = wid * (_NB // _NW)
        tj0 = wid * 4

        def idx_copy(t, h, idx_s):
            return pltpu.make_async_copy(
                xt_hbm.at[t, pl.ds(b0 + h * _W, _W)], idx_s, isem)

        def gather_copy(idx_s, rows_s, j):
            return pltpu.make_async_copy(
                table_hbm.at[idx_s.at[pl.ds(j * _IV, _IV)]],
                rows_s.at[pl.ds(j * _IV, _IV)], gsem)

        def out_copy(t, h, tr_s):
            return pltpu.make_async_copy(
                tr_s, out_hbm.at[t, :, pl.ds(tj0 + 2 * h, 2), :], osem)

        lanes = lax.iota(jnp.int32, 16)
        wvecs = [ib * 16 + lanes for ib in range(_W // 16)]
        i4s = [(ib % 8) * 16 + lanes for ib in range(_W // 16)]
        i2s = [jnp.full((16,), ib // 8, jnp.int32) for ib in range(_W // 16)]

        def transpose(rows_s, tr_s):
            def tbody(dgk, carry):
                perm = (lanes + (dgk & 15)) & 15
                d_vec = (dgk >> 4) * 16 + perm
                i1 = d_vec >> 3
                cbase = (d_vec & 7) * 128
                for ib in range(_W // 16):
                    v = plsc.load_gather(rows_s, [wvecs[ib], d_vec])
                    plsc.store_scatter(tr_s,
                                       [i1, i2s[ib], cbase + i4s[ib]], v)
                return carry
            lax.fori_loop(0, (_D // 16) * 16, tbody, 0)

        def unit(g, h, idx_s, rows_s, tr_s, o_idx, o_rows, o_tr):
            for j in range(_K):
                gather_copy(idx_s, rows_s, j).wait()

            if h == 0:
                @pl.when(g > 0)
                def _():
                    out_copy(g - 1, 1, o_tr).wait()
            else:
                out_copy(g, 0, o_tr).wait()

            if h == 0:
                idx_copy(g, 1, o_idx).wait()
                for j in range(_K):
                    gather_copy(o_idx, o_rows, j).start()
            else:
                @pl.when(g + 1 < n_t)
                def _():
                    idx_copy(g + 1, 0, o_idx).wait()
                    for j in range(_K):
                        gather_copy(o_idx, o_rows, j).start()

            @pl.when(g + 1 < n_t)
            def _():
                idx_copy(g + 1, h, idx_s).start()

            transpose(rows_s, tr_s)
            out_copy(g, h, tr_s).start()

        idx_copy(0, 0, idx0).start()
        idx_copy(0, 1, idx1).start()
        idx_copy(0, 0, idx0).wait()
        for j in range(_K):
            gather_copy(idx0, rows0, j).start()

        def body(g, carry):
            unit(g, 0, idx0, rows0, tr0, idx1, rows1, tr1)
            unit(g, 1, idx1, rows1, tr1, idx0, rows0, tr0)
            return carry

        lax.fori_loop(0, n_t, body, 0)
        out_copy(n_t - 1, 1, tr1).wait()

    return gather_kernel


@jax.jit
def kernel(x, table):
    table_r = jnp.tile(table, (_NREP, 1))
    rep = (jnp.arange(_NB, dtype=jnp.int32) // (_NB // _NW)) % _NREP
    x_adj = (x.astype(jnp.int32) + rep[:, None] * _V).astype(jnp.int32)
    out_t = _build()(table_r, x_adj.T).reshape(_T, 8, 128, 8, 128)
    out_p = jnp.transpose(out_t, (0, 1, 3, 2, 4)).reshape(_T, _D, _NB)
    return jnp.transpose(out_p, (2, 0, 1))

# --- scband reference (transcript-rebuilt; emitter-appended) ---
"""Pipeline reference for scband-position-embedding-6768868458535 (READ-ONLY COPY).

The authoritative reference and input builder live on the scoring server;
editing this copy changes nothing except your own understanding.
"""

import jax, jax.numpy as jnp
import numpy as np

MAX_SEQ_LEN = 2048
HIDDEN_SIZE = 64
BATCH = 16384
HIST_LEN = 200

def setup_inputs(seed: int = 0) -> dict:
    key = jax.random.key(seed)
    k1, k2 = jax.random.split(key)
    x = jax.random.randint(k1, (BATCH, HIST_LEN), 0, MAX_SEQ_LEN, dtype=jnp.int64 if jax.config.read('jax_enable_x64') else jnp.int32)
    table = jax.random.normal(k2, (MAX_SEQ_LEN, HIDDEN_SIZE), dtype=jnp.float32)
    return {"x": x, "table": table}

def reference(x, table):
    # nn.Embedding forward: gather rows of the position embedding table
    return jnp.take(table, x, axis=0)

if __name__ == "__main__":
    import jax
    _d = setup_inputs()
    print(jax.jit(kernel)(*tuple(_d.values())))

</pallas_src>

<mosaic_0001>
#map = affine_map<(d0, d1) -> (0, 0)>
#map1 = affine_map<(d0, d1) -> (0, 0, 0, 0)>
module attributes {stable_mosaic.version = 14 : i64} {
  func.func @gather_kernel(%arg0: i32, %arg1: i32, %arg2: memref<16384x64xf32, #tpu.memory_space<hbm>>, %arg3: memref<200x16384xi32, #tpu.memory_space<hbm>>, %arg4: memref<200x8x128x1024xf32, #tpu.memory_space<hbm>>, %arg5: memref<256xi32, #tpu.memory_space<vmem>>, %arg6: memref<256xi32, #tpu.memory_space<vmem>>, %arg7: memref<256x64xf32, #tpu.memory_space<vmem>>, %arg8: memref<256x64xf32, #tpu.memory_space<vmem>>, %arg9: memref<8x2x1024xf32, #tpu.memory_space<vmem>>, %arg10: memref<8x2x1024xf32, #tpu.memory_space<vmem>>, %arg11: memref<!tpu.dma_semaphore, #tpu.memory_space<semaphore_mem>>, %arg12: memref<!tpu.dma_semaphore, #tpu.memory_space<semaphore_mem>>, %arg13: memref<!tpu.dma_semaphore, #tpu.memory_space<semaphore_mem>>) attributes {dimension_semantics = [#tpu.dimension_semantics<core_parallel>, #tpu.dimension_semantics<subcore_parallel>], iteration_bounds = array<i64: 2, 16>, scalar_prefetch = 0 : i64, scratch_operands = 9 : i64, tpu.core_type = #tpu.core_type<sc_vector_subcore>, window_params = [{transform_indices = #map}, {transform_indices = #map}, {transform_indices = #map1}]} {
    %mul3A = arith.constant 2 : i32
    %mul3A_0 = arith.muli %arg1, %mul3A : i32
    %add3A = arith.addi %mul3A_0, %arg0 : i32
    %mul3A_1 = arith.constant 512 : i32
    %mul3A_2 = arith.muli %add3A, %mul3A_1 : i32
    %mul3A_3 = arith.constant 4 : i32
    %mul3A_4 = arith.muli %add3A, %mul3A_3 : i32
    %iota3A = tpu.iota {dimensions = array<i32: 0>} : vector<16xi32>
    %add3A_5 = arith.constant 0 : i32
    %add3A_6 = vector.broadcast %add3A_5 : i32 to vector<16xi32>
    %add3A_7 = arith.addi %add3A_6, %iota3A : vector<16xi32>
    %add3A_8 = arith.constant 16 : i32
    %add3A_9 = vector.broadcast %add3A_8 : i32 to vector<16xi32>
    %add3A_10 = arith.addi %add3A_9, %iota3A : vector<16xi32>
    %add3A_11 = arith.constant 32 : i32
    %add3A_12 = vector.broadcast %add3A_11 : i32 to vector<16xi32>
    %add3A_13 = arith.addi %add3A_12, %iota3A : vector<16xi32>
    %add3A_14 = arith.constant 48 : i32
    %add3A_15 = vector.broadcast %add3A_14 : i32 to vector<16xi32>
    %add3A_16 = arith.addi %add3A_15, %iota3A : vector<16xi32>
    %add3A_17 = arith.constant 64 : i32
    %add3A_18 = vector.broadcast %add3A_17 : i32 to vector<16xi32>
    %add3A_19 = arith.addi %add3A_18, %iota3A : vector<16xi32>
    %add3A_20 = arith.constant 80 : i32
    %add3A_21 = vector.broadcast %add3A_20 : i32 to vector<16xi32>
    %add3A_22 = arith.addi %add3A_21, %iota3A : vector<16xi32>
    %add3A_23 = arith.constant 96 : i32
    %add3A_24 = vector.broadcast %add3A_23 : i32 to vector<16xi32>
    %add3A_25 = arith.addi %add3A_24, %iota3A : vector<16xi32>
    %add3A_26 = arith.constant 112 : i32
    %add3A_27 = vector.broadcast %add3A_26 : i32 to vector<16xi32>
    %add3A_28 = arith.addi %add3A_27, %iota3A : vector<16xi32>
    %add3A_29 = arith.constant 128 : i32
    %add3A_30 = vector.broadcast %add3A_29 : i32 to vector<16xi32>
    %add3A_31 = arith.addi %add3A_30, %iota3A : vector<16xi32>
    %add3A_32 = arith.constant 144 : i32
    %add3A_33 = vector.broadcast %add3A_32 : i32 to vector<16xi32>
    %add3A_34 = arith.addi %add3A_33, %iota3A : vector<16xi32>
    %add3A_35 = arith.constant 160 : i32
    %add3A_36 = vector.broadcast %add3A_35 : i32 to vector<16xi32>
    %add3A_37 = arith.addi %add3A_36, %iota3A : vector<16xi32>
    %add3A_38 = arith.constant 176 : i32
    %add3A_39 = vector.broadcast %add3A_38 : i32 to vector<16xi32>
    %add3A_40 = arith.addi %add3A_39, %iota3A : vector<16xi32>
    %add3A_41 = arith.constant 192 : i32
    %add3A_42 = vector.broadcast %add3A_41 : i32 to vector<16xi32>
    %add3A_43 = arith.addi %add3A_42, %iota3A : vector<16xi32>
    %add3A_44 = arith.constant 208 : i32
    %add3A_45 = vector.broadcast %add3A_44 : i32 to vector<16xi32>
    %add3A_46 = arith.addi %add3A_45, %iota3A : vector<16xi32>
    %add3A_47 = arith.constant 224 : i32
    %add3A_48 = vector.broadcast %add3A_47 : i32 to vector<16xi32>
    %add3A_49 = arith.addi %add3A_48, %iota3A : vector<16xi32>
    %add3A_50 = arith.constant 240 : i32
    %add3A_51 = vector.broadcast %add3A_50 : i32 to vector<16xi32>
    %add3A_52 = arith.addi %add3A_51, %iota3A : vector<16xi32>
    %add3A_53 = arith.constant 0 : i32
    %add3A_54 = vector.broadcast %add3A_53 : i32 to vector<16xi32>
    %add3A_55 = arith.addi %add3A_54, %iota3A : vector<16xi32>
    %add3A_56 = arith.constant 16 : i32
    %add3A_57 = vector.broadcast %add3A_56 : i32 to vector<16xi32>
    %add3A_58 = arith.addi %add3A_57, %iota3A : vector<16xi32>
    %add3A_59 = arith.constant 32 : i32
    %add3A_60 = vector.broadcast %add3A_59 : i32 to vector<16xi32>
    %add3A_61 = arith.addi %add3A_60, %iota3A : vector<16xi32>
    %add3A_62 = arith.constant 48 : i32
    %add3A_63 = vector.broadcast %add3A_62 : i32 to vector<16xi32>
    %add3A_64 = arith.addi %add3A_63, %iota3A : vector<16xi32>
    %add3A_65 = arith.constant 64 : i32
    %add3A_66 = vector.broadcast %add3A_65 : i32 to vector<16xi32>
    %add3A_67 = arith.addi %add3A_66, %iota3A : vector<16xi32>
    %add3A_68 = arith.constant 80 : i32
    %add3A_69 = vector.broadcast %add3A_68 : i32 to vector<16xi32>
    %add3A_70 = arith.addi %add3A_69, %iota3A : vector<16xi32>
    %add3A_71 = arith.constant 96 : i32
    %add3A_72 = vector.broadcast %add3A_71 : i32 to vector<16xi32>
    %add3A_73 = arith.addi %add3A_72, %iota3A : vector<16xi32>
    %add3A_74 = arith.constant 112 : i32
    %add3A_75 = vector.broadcast %add3A_74 : i32 to vector<16xi32>
    %add3A_76 = arith.addi %add3A_75, %iota3A : vector<16xi32>
    %add3A_77 = arith.constant 0 : i32
    %add3A_78 = vector.broadcast %add3A_77 : i32 to vector<16xi32>
    %add3A_79 = arith.addi %add3A_78, %iota3A : vector<16xi32>
    %add3A_80 = arith.constant 16 : i32
    %add3A_81 = vector.broadcast %add3A_80 : i32 to vector<16xi32>
    %add3A_82 = arith.addi %add3A_81, %iota3A : vector<16xi32>
    %add3A_83 = arith.constant 32 : i32
    %add3A_84 = vector.broadcast %add3A_83 : i32 to vector<16xi32>
    %add3A_85 = arith.addi %add3A_84, %iota3A : vector<16xi32>
    %add3A_86 = arith.constant 48 : i32
    %add3A_87 = vector.broadcast %add3A_86 : i32 to vector<16xi32>
    %add3A_88 = arith.addi %add3A_87, %iota3A : vector<16xi32>
    %add3A_89 = arith.constant 64 : i32
    %add3A_90 = vector.broadcast %add3A_89 : i32 to vector<16xi32>
    %add3A_91 = arith.addi %add3A_90, %iota3A : vector<16xi32>
    %add3A_92 = arith.constant 80 : i32
    %add3A_93 = vector.broadcast %add3A_92 : i32 to vector<16xi32>
    %add3A_94 = arith.addi %add3A_93, %iota3A : vector<16xi32>
    %add3A_95 = arith.constant 96 : i32
    %add3A_96 = vector.broadcast %add3A_95 : i32 to vector<16xi32>
    %add3A_97 = arith.addi %add3A_96, %iota3A : vector<16xi32>
    %add3A_98 = arith.constant 112 : i32
    %add3A_99 = vector.broadcast %add3A_98 : i32 to vector<16xi32>
    %add3A_100 = arith.addi %add3A_99, %iota3A : vector<16xi32>
    %broadcast_in_dim3A = arith.constant 0 : i32
    %broadcast_in_dim3A_101 = vector.broadcast %broadcast_in_dim3A : i32 to vector<16xi32>
    %broadcast_in_dim3A_102 = arith.constant 0 : i32
    %broadcast_in_dim3A_103 = vector.broadcast %broadcast_in_dim3A_102 : i32 to vector<16xi32>
    %broadcast_in_dim3A_104 = arith.constant 0 : i32
    %broadcast_in_dim3A_105 = vector.broadcast %broadcast_in_dim3A_104 : i32 to vector<16xi32>
    %broadcast_in_dim3A_106 = arith.constant 0 : i32
    %broadcast_in_dim3A_107 = vector.broadcast %broadcast_in_dim3A_106 : i32 to vector<16xi32>
    %broadcast_in_dim3A_108 = arith.constant 0 : i32
    %broadcast_in_dim3A_109 = vector.broadcast %broadcast_in_dim3A_108 : i32 to vector<16xi32>
    %broadcast_in_dim3A_110 = arith.constant 0 : i32
    %broadcast_in_dim3A_111 = vector.broadcast %broadcast_in_dim3A_110 : i32 to vector<16xi32>
    %broadcast_in_dim3A_112 = arith.constant 0 : i32
    %broadcast_in_dim3A_113 = vector.broadcast %broadcast_in_dim3A_112 : i32 to vector<16xi32>
    %broadcast_in_dim3A_114 = arith.constant 0 : i32
    %broadcast_in_dim3A_115 = vector.broadcast %broadcast_in_dim3A_114 : i32 to vector<16xi32>
    %broadcast_in_dim3A_116 = arith.constant 1 : i32
    %broadcast_in_dim3A_117 = vector.broadcast %broadcast_in_dim3A_116 : i32 to vector<16xi32>
    %broadcast_in_dim3A_118 = arith.constant 1 : i32
    %broadcast_in_dim3A_119 = vector.broadcast %broadcast_in_dim3A_118 : i32 to vector<16xi32>
    %broadcast_in_dim3A_120 = arith.constant 1 : i32
    %broadcast_in_dim3A_121 = vector.broadcast %broadcast_in_dim3A_120 : i32 to vector<16xi32>
    %broadcast_in_dim3A_122 = arith.constant 1 : i32
    %broadcast_in_dim3A_123 = vector.broadcast %broadcast_in_dim3A_122 : i32 to vector<16xi32>
    %broadcast_in_dim3A_124 = arith.constant 1 : i32
    %broadcast_in_dim3A_125 = vector.broadcast %broadcast_in_dim3A_124 : i32 to vector<16xi32>
    %broadcast_in_dim3A_126 = arith.constant 1 : i32
    %broadcast_in_dim3A_127 = vector.broadcast %broadcast_in_dim3A_126 : i32 to vector<16xi32>
    %broadcast_in_dim3A_128 = arith.constant 1 : i32
    %broadcast_in_dim3A_129 = vector.broadcast %broadcast_in_dim3A_128 : i32 to vector<16xi32>
    %broadcast_in_dim3A_130 = arith.constant 1 : i32
    %broadcast_in_dim3A_131 = vector.broadcast %broadcast_in_dim3A_130 : i32 to vector<16xi32>
    %add3A_132 = arith.constant 0 : i32
    %add3A_133 = arith.addi %mul3A_2, %add3A_132 : i32
    %dma_start3A = arith.constant 0 : i32
    %dma_start3A_134 = tpu.memref_slice %arg3[%dma_start3A, %add3A_133] : memref<200x16384xi32, #tpu.memory_space<hbm>> -> memref<1x256xi32, #tpu.memory_space<hbm>>
    %dma_start3A_135 = tpu.memref_squeeze %dma_start3A_134 : memref<1x256xi32, #tpu.memory_space<hbm>> -> memref<256xi32, #tpu.memory_space<hbm>>
    %dma_start3A_136 = tpu.memref_slice %arg3[%dma_start3A, %add3A_133] : memref<200x16384xi32, #tpu.memory_space<hbm>> -> memref<1x256xi32, #tpu.memory_space<hbm>>
    %dma_start3A_137 = tpu.memref_squeeze %dma_start3A_136 : memref<1x256xi32, #tpu.memory_space<hbm>> -> memref<256xi32, #tpu.memory_space<hbm>>
    tpu.enqueue_dma source(%dma_start3A_137 : memref<256xi32, #tpu.memory_space<hbm>>) target(%arg5 : memref<256xi32, #tpu.memory_space<vmem>>) target_semaphore(%arg11 : memref<!tpu.dma_semaphore, #tpu.memory_space<semaphore_mem>>)
    %add3A_138 = arith.constant 256 : i32
    %add3A_139 = arith.addi %mul3A_2, %add3A_138 : i32
    %dma_start3A_140 = arith.constant 0 : i32
    %dma_start3A_141 = tpu.memref_slice %arg3[%dma_start3A_140, %add3A_139] : memref<200x16384xi32, #tpu.memory_space<hbm>> -> memref<1x256xi32, #tpu.memory_space<hbm>>
    %dma_start3A_142 = tpu.memref_squeeze %dma_start3A_141 : memref<1x256xi32, #tpu.memory_space<hbm>> -> memref<256xi32, #tpu.memory_space<hbm>>
    %dma_start3A_143 = tpu.memref_slice %arg3[%dma_start3A_140, %add3A_139] : memref<200x16384xi32, #tpu.memory_space<hbm>> -> memref<1x256xi32, #tpu.memory_space<hbm>>
    %dma_start3A_144 = tpu.memref_squeeze %dma_start3A_143 : memref<1x256xi32, #tpu.memory_space<hbm>> -> memref<256xi32, #tpu.memory_space<hbm>>
    tpu.enqueue_dma source(%dma_start3A_144 : memref<256xi32, #tpu.memory_space<hbm>>) target(%arg6 : memref<256xi32, #tpu.memory_space<vmem>>) target_semaphore(%arg11 : memref<!tpu.dma_semaphore, #tpu.memory_space<semaphore_mem>>)
    %add3A_145 = arith.constant 0 : i32
    %add3A_146 = arith.addi %mul3A_2, %add3A_145 : i32
    %dma_wait3A = arith.constant 0 : i32
    %dma_wait3A_147 = tpu.memref_slice %arg3[%dma_wait3A, %add3A_146] : memref<200x16384xi32, #tpu.memory_space<hbm>> -> memref<1x256xi32, #tpu.memory_space<hbm>>
    %dma_wait3A_148 = tpu.memref_squeeze %dma_wait3A_147 : memref<1x256xi32, #tpu.memory_space<hbm>> -> memref<256xi32, #tpu.memory_space<hbm>>
    %dma_wait3A_149 = tpu.memref_slice %arg3[%dma_wait3A, %add3A_146] : memref<200x16384xi32, #tpu.memory_space<hbm>> -> memref<1x256xi32, #tpu.memory_space<hbm>>
    %dma_wait3A_150 = tpu.memref_squeeze %dma_wait3A_149 : memref<1x256xi32, #tpu.memory_space<hbm>> -> memref<256xi32, #tpu.memory_space<hbm>>
    tpu.wait_dma2 semaphore(%arg11 : memref<!tpu.dma_semaphore, #tpu.memory_space<semaphore_mem>>) src(%dma_wait3A_150 : memref<256xi32, #tpu.memory_space<hbm>>) dst(%arg5 : memref<256xi32, #tpu.memory_space<vmem>>)
    %dma_start3A_151 = arith.constant 0 : i32
    %dma_start3A_152 = arith.constant 0 : i32
    %dma_start3A_153 = tpu.memref_slice %arg7[%dma_start3A_151, %dma_start3A_152] : memref<256x64xf32, #tpu.memory_space<vmem>> -> memref<128x64xf32, #tpu.memory_space<vmem>>
    %dma_start3A_154 = arith.constant 0 : i32
    %dma_start3A_155 = tpu.memref_slice %arg5[%dma_start3A_154] : memref<256xi32, #tpu.memory_space<vmem>> -> memref<128xi32, #tpu.memory_space<vmem>>
    %dma_start3A_156 = arith.constant 0 : i32
    %dma_start3A_157 = arith.constant 0 : i32
    %dma_start3A_158 = tpu.memref_slice %arg2[%dma_start3A_156, %dma_start3A_157] : memref<16384x64xf32, #tpu.memory_space<hbm>> -> memref<16384x64xf32, #tpu.memory_space<hbm>>
    tpu.enqueue_indirect_dma source(%dma_start3A_158 : memref<16384x64xf32, #tpu.memory_space<hbm>>) target(%dma_start3A_153 : memref<128x64xf32, #tpu.memory_space<vmem>>) offsets(%dma_start3A_155 : memref<128xi32, #tpu.memory_space<vmem>>) semaphore(%arg12 : memref<!tpu.dma_semaphore, #tpu.memory_space<semaphore_mem>>)
    %dma_start3A_159 = arith.constant 128 : i32
    %dma_start3A_160 = arith.constant 0 : i32
    %dma_start3A_161 = tpu.memref_slice %arg7[%dma_start3A_159, %dma_start3A_160] : memref<256x64xf32, #tpu.memory_space<vmem>> -> memref<128x64xf32, #tpu.memory_space<vmem>>
    %dma_start3A_162 = arith.constant 128 : i32
    %dma_start3A_163 = tpu.memref_slice %arg5[%dma_start3A_162] : memref<256xi32, #tpu.memory_space<vmem>> -> memref<128xi32, #tpu.memory_space<vmem>>
    %dma_start3A_164 = arith.constant 0 : i32
    %dma_start3A_165 = arith.constant 0 : i32
    %dma_start3A_166 = tpu.memref_slice %arg2[%dma_start3A_164, %dma_start3A_165] : memref<16384x64xf32, #tpu.memory_space<hbm>> -> memref<16384x64xf32, #tpu.memory_space<hbm>>
    tpu.enqueue_indirect_dma source(%dma_start3A_166 : memref<16384x64xf32, #tpu.memory_space<hbm>>) target(%dma_start3A_161 : memref<128x64xf32, #tpu.memory_space<vmem>>) offsets(%dma_start3A_163 : memref<128xi32, #tpu.memory_space<vmem>>) semaphore(%arg12 : memref<!tpu.dma_semaphore, #tpu.memory_space<semaphore_mem>>)
    %scan3A = arith.constant 0 : i32
    %scan3A_167 = arith.constant 0 : i32
    %scan3A_168 = arith.constant 200 : i32
    %scan3A_169 = arith.addi %scan3A_167, %scan3A_168 : i32
    %scan3A_170 = arith.constant 1 : i32
    scf.for %scan3A_183 = %scan3A_167 to %scan3A_169 step %scan3A_170  : i32 {
      %dma_wait3A_184 = arith.constant 0 : i32
      %dma_wait3A_185 = arith.constant 0 : i32
      %dma_wait3A_186 = tpu.memref_slice %arg7[%dma_wait3A_184, %dma_wait3A_185] : memref<256x64xf32, #tpu.memory_space<vmem>> -> memref<128x64xf32, #tpu.memory_space<vmem>>
      %dma_wait3A_187 = arith.constant 0 : i32
      %dma_wait3A_188 = tpu.memref_slice %arg5[%dma_wait3A_187] : memref<256xi32, #tpu.memory_space<vmem>> -> memref<128xi32, #tpu.memory_space<vmem>>
      %dma_wait3A_189 = arith.constant 0 : i32
      %dma_wait3A_190 = arith.constant 0 : i32
      %dma_wait3A_191 = tpu.memref_slice %arg2[%dma_wait3A_189, %dma_wait3A_190] : memref<16384x64xf32, #tpu.memory_space<hbm>> -> memref<16384x64xf32, #tpu.memory_space<hbm>>
      tpu.wait_indirect_dma semaphore(%arg12 : memref<!tpu.dma_semaphore, #tpu.memory_space<semaphore_mem>>) src(%dma_wait3A_191 : memref<16384x64xf32, #tpu.memory_space<hbm>>) dst(%dma_wait3A_186 : memref<128x64xf32, #tpu.memory_space<vmem>>)
      %dma_wait3A_192 = arith.constant 128 : i32
      %dma_wait3A_193 = arith.constant 0 : i32
      %dma_wait3A_194 = tpu.memref_slice %arg7[%dma_wait3A_192, %dma_wait3A_193] : memref<256x64xf32, #tpu.memory_space<vmem>> -> memref<128x64xf32, #tpu.memory_space<vmem>>
      %dma_wait3A_195 = arith.constant 128 : i32
      %dma_wait3A_196 = tpu.memref_slice %arg5[%dma_wait3A_195] : memref<256xi32, #tpu.memory_space<vmem>> -> memref<128xi32, #tpu.memory_space<vmem>>
      %dma_wait3A_197 = arith.constant 0 : i32
      %dma_wait3A_198 = arith.constant 0 : i32
      %dma_wait3A_199 = tpu.memref_slice %arg2[%dma_wait3A_197, %dma_wait3A_198] : memref<16384x64xf32, #tpu.memory_space<hbm>> -> memref<16384x64xf32, #tpu.memory_space<hbm>>
      tpu.wait_indirect_dma semaphore(%arg12 : memref<!tpu.dma_semaphore, #tpu.memory_space<semaphore_mem>>) src(%dma_wait3A_199 : memref<16384x64xf32, #tpu.memory_space<hbm>>) dst(%dma_wait3A_194 : memref<128x64xf32, #tpu.memory_space<vmem>>)
      %gt3A = arith.constant 0 : i32
      %gt3A_200 = arith.cmpi sgt, %scan3A_183, %gt3A : i32
      %convert_element_type3A = arith.extui %gt3A_200 : i1 to i32
      %cond3A = arith.constant 0 : i32
      %cond3A_201 = arith.cmpi ne, %convert_element_type3A, %cond3A : i32
      scf.if %cond3A_201 {
        %sub3A = arith.constant 1 : i32
        %sub3A_302 = arith.subi %scan3A_183, %sub3A : i32
        %add3A_303 = arith.constant 2 : i32
        %add3A_304 = arith.addi %mul3A_4, %add3A_303 : i32
        %dma_wait3A_305 = arith.constant 0 : i32
        %dma_wait3A_306 = arith.constant 0 : i32
        %dma_wait3A_307 = tpu.memref_slice %arg4[%sub3A_302, %dma_wait3A_305, %add3A_304, %dma_wait3A_306] : memref<200x8x128x1024xf32, #tpu.memory_space<hbm>> -> memref<1x8x2x1024xf32, #tpu.memory_space<hbm>>
        %dma_wait3A_308 = tpu.memref_squeeze %dma_wait3A_307 : memref<1x8x2x1024xf32, #tpu.memory_space<hbm>> -> memref<8x2x1024xf32, #tpu.memory_space<hbm>>
        %dma_wait3A_309 = arith.constant 0 : i32
        %dma_wait3A_310 = arith.constant 0 : i32
        %dma_wait3A_311 = tpu.memref_slice %arg4[%sub3A_302, %dma_wait3A_309, %add3A_304, %dma_wait3A_310] : memref<200x8x128x1024xf32, #tpu.memory_space<hbm>> -> memref<1x8x2x1024xf32, #tpu.memory_space<hbm>>
        %dma_wait3A_312 = tpu.memref_squeeze %dma_wait3A_311 : memref<1x8x2x1024xf32, #tpu.memory_space<hbm>> -> memref<8x2x1024xf32, #tpu.memory_space<hbm>>
        tpu.wait_dma2 semaphore(%arg13 : memref<!tpu.dma_semaphore, #tpu.memory_space<semaphore_mem>>) src(%arg10 : memref<8x2x1024xf32, #tpu.memory_space<vmem>>) dst(%dma_wait3A_312 : memref<8x2x1024xf32, #tpu.memory_space<hbm>>)
      } else {
      }
      %add3A_202 = arith.constant 256 : i32
      %add3A_203 = arith.addi %mul3A_2, %add3A_202 : i32
      %dma_wait3A_204 = tpu.memref_slice %arg3[%scan3A_183, %add3A_203] : memref<200x16384xi32, #tpu.memory_space<hbm>> -> memref<1x256xi32, #tpu.memory_space<hbm>>
      %dma_wait3A_205 = tpu.memref_squeeze %dma_wait3A_204 : memref<1x256xi32, #tpu.memory_space<hbm>> -> memref<256xi32, #tpu.memory_space<hbm>>
      %dma_wait3A_206 = tpu.memref_slice %arg3[%scan3A_183, %add3A_203] : memref<200x16384xi32, #tpu.memory_space<hbm>> -> memref<1x256xi32, #tpu.memory_space<hbm>>
      %dma_wait3A_207 = tpu.memref_squeeze %dma_wait3A_206 : memref<1x256xi32, #tpu.memory_space<hbm>> -> memref<256xi32, #tpu.memory_space<hbm>>
      tpu.wait_dma2 semaphore(%arg11 : memref<!tpu.dma_semaphore, #tpu.memory_space<semaphore_mem>>) src(%dma_wait3A_207 : memref<256xi32, #tpu.memory_space<hbm>>) dst(%arg6 : memref<256xi32, #tpu.memory_space<vmem>>)
      %dma_start3A_208 = arith.constant 0 : i32
      %dma_start3A_209 = arith.constant 0 : i32
      %dma_start3A_210 = tpu.memref_slice %arg8[%dma_start3A_208, %dma_start3A_209] : memref<256x64xf32, #tpu.memory_space<vmem>> -> memref<128x64xf32, #tpu.memory_space<vmem>>
      %dma_start3A_211 = arith.constant 0 : i32
      %dma_start3A_212 = tpu.memref_slice %arg6[%dma_start3A_211] : memref<256xi32, #tpu.memory_space<vmem>> -> memref<128xi32, #tpu.memory_space<vmem>>
      %dma_start3A_213 = arith.constant 0 : i32
      %dma_start3A_214 = arith.constant 0 : i32
      %dma_start3A_215 = tpu.memref_slice %arg2[%dma_start3A_213, %dma_start3A_214] : memref<16384x64xf32, #tpu.memory_space<hbm>> -> memref<16384x64xf32, #tpu.memory_space<hbm>>
      tpu.enqueue_indirect_dma source(%dma_start3A_215 : memref<16384x64xf32, #tpu.memory_space<hbm>>) target(%dma_start3A_210 : memref<128x64xf32, #tpu.memory_space<vmem>>) offsets(%dma_start3A_212 : memref<128xi32, #tpu.memory_space<vmem>>) semaphore(%arg12 : memref<!tpu.dma_semaphore, #tpu.memory_space<semaphore_mem>>)
      %dma_start3A_216 = arith.constant 128 : i32
      %dma_start3A_217 = arith.constant 0 : i32
      %dma_start3A_218 = tpu.memref_slice %arg8[%dma_start3A_216, %dma_start3A_217] : memref<256x64xf32, #tpu.memory_space<vmem>> -> memref<128x64xf32, #tpu.memory_space<vmem>>
      %dma_start3A_219 = arith.constant 128 : i32
      %dma_start3A_220 = tpu.memref_slice %arg6[%dma_start3A_219] : memref<256xi32, #tpu.memory_space<vmem>> -> memref<128xi32, #tpu.memory_space<vmem>>
      %dma_start3A_221 = arith.constant 0 : i32
      %dma_start3A_222 = arith.constant 0 : i32
      %dma_start3A_223 = tpu.memref_slice %arg2[%dma_start3A_221, %dma_start3A_222] : memref<16384x64xf32, #tpu.memory_space<hbm>> -> memref<16384x64xf32, #tpu.memory_space<hbm>>
      tpu.enqueue_indirect_dma source(%dma_start3A_223 : memref<16384x64xf32, #tpu.memory_space<hbm>>) target(%dma_start3A_218 : memref<128x64xf32, #tpu.memory_space<vmem>>) offsets(%dma_start3A_220 : memref<128xi32, #tpu.memory_space<vmem>>) semaphore(%arg12 : memref<!tpu.dma_semaphore, #tpu.memory_space<semaphore_mem>>)
      %add3A_224 = arith.constant 1 : i32
      %add3A_225 = arith.addi %scan3A_183, %add3A_224 : i32
      %lt3A = arith.constant 200 : i32
      %lt3A_226 = arith.cmpi slt, %add3A_225, %lt3A : i32
      %convert_element_type3A_227 = arith.extui %lt3A_226 : i1 to i32
      %cond3A_228 = arith.constant 0 : i32
      %cond3A_229 = arith.cmpi ne, %convert_element_type3A_227, %cond3A_228 : i32
      scf.if %cond3A_229 {
        %add3A_302 = arith.constant 1 : i32
        %add3A_303 = arith.addi %scan3A_183, %add3A_302 : i32
        %add3A_304 = arith.constant 0 : i32
        %add3A_305 = arith.addi %mul3A_2, %add3A_304 : i32
        %dma_start3A_306 = tpu.memref_slice %arg3[%add3A_303, %add3A_305] : memref<200x16384xi32, #tpu.memory_space<hbm>> -> memref<1x256xi32, #tpu.memory_space<hbm>>
        %dma_start3A_307 = tpu.memref_squeeze %dma_start3A_306 : memref<1x256xi32, #tpu.memory_space<hbm>> -> memref<256xi32, #tpu.memory_space<hbm>>
        %dma_start3A_308 = tpu.memref_slice %arg3[%add3A_303, %add3A_305] : memref<200x16384xi32, #tpu.memory_space<hbm>> -> memref<1x256xi32, #tpu.memory_space<hbm>>
        %dma_start3A_309 = tpu.memref_squeeze %dma_start3A_308 : memref<1x256xi32, #tpu.memory_space<hbm>> -> memref<256xi32, #tpu.memory_space<hbm>>
        tpu.enqueue_dma source(%dma_start3A_309 : memref<256xi32, #tpu.memory_space<hbm>>) target(%arg5 : memref<256xi32, #tpu.memory_space<vmem>>) target_semaphore(%arg11 : memref<!tpu.dma_semaphore, #tpu.memory_space<semaphore_mem>>)
      } else {
      }
      %scan3A_230 = arith.constant 0 : i32
      %scan3A_231 = arith.constant 0 : i32
      %scan3A_232 = arith.constant 64 : i32
      %scan3A_233 = arith.addi %scan3A_231, %scan3A_232 : i32
      %scan3A_234 = arith.constant 1 : i32
      scf.for %scan3A_302 = %scan3A_231 to %scan3A_233 step %scan3A_234  : i32 {
        %and3A = arith.constant 15 : i32
        %and3A_303 = arith.andi %scan3A_302, %and3A : i32
        %add3A_304 = vector.broadcast %and3A_303 : i32 to vector<16xi32>
        %add3A_305 = arith.addi %iota3A, %add3A_304 : vector<16xi32>
        %and3A_306 = arith.constant 15 : i32
        %and3A_307 = vector.broadcast %and3A_306 : i32 to vector<16xi32>
        %and3A_308 = arith.andi %add3A_305, %and3A_307 : vector<16xi32>
        %shift_right_arithmetic3A = arith.constant 4 : i32
        %shift_right_arithmetic3A_309 = arith.shrsi %scan3A_302, %shift_right_arithmetic3A : i32
        %mul3A_310 = arith.constant 16 : i32
        %mul3A_311 = arith.muli %shift_right_arithmetic3A_309, %mul3A_310 : i32
        %add3A_312 = vector.broadcast %mul3A_311 : i32 to vector<16xi32>
        %add3A_313 = arith.addi %add3A_312, %and3A_308 : vector<16xi32>
        %shift_right_arithmetic3A_314 = arith.constant 3 : i32
        %shift_right_arithmetic3A_315 = vector.broadcast %shift_right_arithmetic3A_314 : i32 to vector<16xi32>
        %shift_right_arithmetic3A_316 = arith.shrsi %add3A_313, %shift_right_arithmetic3A_315 : vector<16xi32>
        %and3A_317 = arith.constant 7 : i32
        %and3A_318 = vector.broadcast %and3A_317 : i32 to vector<16xi32>
        %and3A_319 = arith.andi %add3A_313, %and3A_318 : vector<16xi32>
        %mul3A_320 = arith.constant 128 : i32
        %mul3A_321 = vector.broadcast %mul3A_320 : i32 to vector<16xi32>
        %mul3A_322 = arith.muli %and3A_319, %mul3A_321 : vector<16xi32>
        %gather3A = tpu.vector_load_idx %arg7[%add3A_7, %add3A_313] : memref<256x64xf32, #tpu.memory_space<vmem>>[vector<16xi32>, vector<16xi32>], vector<16xf32>,
        %add3A_323 = arith.addi %mul3A_322, %add3A_55 : vector<16xi32>
        tpu.vector_store_idx %arg9[%shift_right_arithmetic3A_316, %broadcast_in_dim3A_101, %add3A_323], %gather3A : memref<8x2x1024xf32, #tpu.memory_space<vmem>>[vector<16xi32>, vector<16xi32>, vector<16xi32>], vector<16xf32>,
        %gather3A_324 = tpu.vector_load_idx %arg7[%add3A_10, %add3A_313] : memref<256x64xf32, #tpu.memory_space<vmem>>[vector<16xi32>, vector<16xi32>], vector<16xf32>,
        %add3A_325 = arith.addi %mul3A_322, %add3A_58 : vector<16xi32>
        tpu.vector_store_idx %arg9[%shift_right_arithmetic3A_316, %broadcast_in_dim3A_103, %add3A_325], %gather3A_324 : memref<8x2x1024xf32, #tpu.memory_space<vmem>>[vector<16xi32>, vector<16xi32>, vector<16xi32>], vector<16xf32>,
        %gather3A_326 = tpu.vector_load_idx %arg7[%add3A_13, %add3A_313] : memref<256x64xf32, #tpu.memory_space<vmem>>[vector<16xi32>, vector<16xi32>], vector<16xf32>,
        %add3A_327 = arith.addi %mul3A_322, %add3A_61 : vector<16xi32>
        tpu.vector_store_idx %arg9[%shift_right_arithmetic3A_316, %broadcast_in_dim3A_105, %add3A_327], %gather3A_326 : memref<8x2x1024xf32, #tpu.memory_space<vmem>>[vector<16xi32>, vector<16xi32>, vector<16xi32>], vector<16xf32>,
        %gather3A_328 = tpu.vector_load_idx %arg7[%add3A_16, %add3A_313] : memref<256x64xf32, #tpu.memory_space<vmem>>[vector<16xi32>, vector<16xi32>], vector<16xf32>,
        %add3A_329 = arith.addi %mul3A_322, %add3A_64 : vector<16xi32>
        tpu.vector_store_idx %arg9[%shift_right_arithmetic3A_316, %broadcast_in_dim3A_107, %add3A_329], %gather3A_328 : memref<8x2x1024xf32, #tpu.memory_space<vmem>>[vector<16xi32>, vector<16xi32>, vector<16xi32>], vector<16xf32>,
        %gather3A_330 = tpu.vector_load_idx %arg7[%add3A_19, %add3A_313] : memref<256x64xf32, #tpu.memory_space<vmem>>[vector<16xi32>, vector<16xi32>], vector<16xf32>,
        %add3A_331 = arith.addi %mul3A_322, %add3A_67 : vector<16xi32>
        tpu.vector_store_idx %arg9[%shift_right_arithmetic3A_316, %broadcast_in_dim3A_109, %add3A_331], %gather3A_330 : memref<8x2x1024xf32, #tpu.memory_space<vmem>>[vector<16xi32>, vector<16xi32>, vector<16xi32>], vector<16xf32>,
        %gather3A_332 = tpu.vector_load_idx %arg7[%add3A_22, %add3A_313] : memref<256x64xf32, #tpu.memory_space<vmem>>[vector<16xi32>, vector<16xi32>], vector<16xf32>,
        %add3A_333 = arith.addi %mul3A_322, %add3A_70 : vector<16xi32>
        tpu.vector_store_idx %arg9[%shift_right_arithmetic3A_316, %broadcast_in_dim3A_111, %add3A_333], %gather3A_332 : memref<8x2x1024xf32, #tpu.memory_space<vmem>>[vector<16xi32>, vector<16xi32>, vector<16xi32>], vector<16xf32>,
        %gather3A_334 = tpu.vector_load_idx %arg7[%add3A_25, %add3A_313] : memref<256x64xf32, #tpu.memory_space<vmem>>[vector<16xi32>, vector<16xi32>], vector<16xf32>,
        %add3A_335 = arith.addi %mul3A_322, %add3A_73 : vector<16xi32>
        tpu.vector_store_idx %arg9[%shift_right_arithmetic3A_316, %broadcast_in_dim3A_113, %add3A_335], %gather3A_334 : memref<8x2x1024xf32, #tpu.memory_space<vmem>>[vector<16xi32>, vector<16xi32>, vector<16xi32>], vector<16xf32>,
        %gather3A_336 = tpu.vector_load_idx %arg7[%add3A_28, %add3A_313] : memref<256x64xf32, #tpu.memory_space<vmem>>[vector<16xi32>, vector<16xi32>], vector<16xf32>,
        %add3A_337 = arith.addi %mul3A_322, %add3A_76 : vector<16xi32>
        tpu.vector_store_idx %arg9[%shift_right_arithmetic3A_316, %broadcast_in_dim3A_115, %add3A_337], %gather3A_336 : memref<8x2x1024xf32, #tpu.memory_space<vmem>>[vector<16xi32>, vector<16xi32>, vector<16xi32>], vector<16xf32>,
        %gather3A_338 = tpu.vector_load_idx %arg7[%add3A_31, %add3A_313] : memref<256x64xf32, #tpu.memory_space<vmem>>[vector<16xi32>, vector<16xi32>], vector<16xf32>,
        %add3A_339 = arith.addi %mul3A_322, %add3A_79 : vector<16xi32>
        tpu.vector_store_idx %arg9[%shift_right_arithmetic3A_316, %broadcast_in_dim3A_117, %add3A_339], %gather3A_338 : memref<8x2x1024xf32, #tpu.memory_space<vmem>>[vector<16xi32>, vector<16xi32>, vector<16xi32>], vector<16xf32>,
        %gather3A_340 = tpu.vector_load_idx %arg7[%add3A_34, %add3A_313] : memref<256x64xf32, #tpu.memory_space<vmem>>[vector<16xi32>, vector<16xi32>], vector<16xf32>,
        %add3A_341 = arith.addi %mul3A_322, %add3A_82 : vector<16xi32>
        tpu.vector_store_idx %arg9[%shift_right_arithmetic3A_316, %broadcast_in_dim3A_119, %add3A_341], %gather3A_340 : memref<8x2x1024xf32, #tpu.memory_space<vmem>>[vector<16xi32>, vector<16xi32>, vector<16xi32>], vector<16xf32>,
        %gather3A_342 = tpu.vector_load_idx %arg7[%add3A_37, %add3A_313] : memref<256x64xf32, #tpu.memory_space<vmem>>[vector<16xi32>, vector<16xi32>], vector<16xf32>,
        %add3A_343 = arith.addi %mul3A_322, %add3A_85 : vector<16xi32>
        tpu.vector_store_idx %arg9[%shift_right_arithmetic3A_316, %broadcast_in_dim3A_121, %add3A_343], %gather3A_342 : memref<8x2x1024xf32, #tpu.memory_space<vmem>>[vector<16xi32>, vector<16xi32>, vector<16xi32>], vector<16xf32>,
        %gather3A_344 = tpu.vector_load_idx %arg7[%add3A_40, %add3A_313] : memref<256x64xf32, #tpu.memory_space<vmem>>[vector<16xi32>, vector<16xi32>], vector<16xf32>,
        %add3A_345 = arith.addi %mul3A_322, %add3A_88 : vector<16xi32>
        tpu.vector_store_idx %arg9[%shift_right_arithmetic3A_316, %broadcast_in_dim3A_123, %add3A_345], %gather3A_344 : memref<8x2x1024xf32, #tpu.memory_space<vmem>>[vector<16xi32>, vector<16xi32>, vector<16xi32>], vector<16xf32>,
        %gather3A_346 = tpu.vector_load_idx %arg7[%add3A_43, %add3A_313] : memref<256x64xf32, #tpu.memory_space<vmem>>[vector<16xi32>, vector<16xi32>], vector<16xf32>,
        %add3A_347 = arith.addi %mul3A_322, %add3A_91 : vector<16xi32>
        tpu.vector_store_idx %arg9[%shift_right_arithmetic3A_316, %broadcast_in_dim3A_125, %add3A_347], %gather3A_346 : memref<8x2x1024xf32, #tpu.memory_space<vmem>>[vector<16xi32>, vector<16xi32>, vector<16xi32>], vector<16xf32>,
        %gather3A_348 = tpu.vector_load_idx %arg7[%add3A_46, %add3A_313] : memref<256x64xf32, #tpu.memory_space<vmem>>[vector<16xi32>, vector<16xi32>], vector<16xf32>,
        %add3A_349 = arith.addi %mul3A_322, %add3A_94 : vector<16xi32>
        tpu.vector_store_idx %arg9[%shift_right_arithmetic3A_316, %broadcast_in_dim3A_127, %add3A_349], %gather3A_348 : memref<8x2x1024xf32, #tpu.memory_space<vmem>>[vector<16xi32>, vector<16xi32>, vector<16xi32>], vector<16xf32>,
        %gather3A_350 = tpu.vector_load_idx %arg7[%add3A_49, %add3A_313] : memref<256x64xf32, #tpu.memory_space<vmem>>[vector<16xi32>, vector<16xi32>], vector<16xf32>,
        %add3A_351 = arith.addi %mul3A_322, %add3A_97 : vector<16xi32>
        tpu.vector_store_idx %arg9[%shift_right_arithmetic3A_316, %broadcast_in_dim3A_129, %add3A_351], %gather3A_350 : memref<8x2x1024xf32, #tpu.memory_space<vmem>>[vector<16xi32>, vector<16xi32>, vector<16xi32>], vector<16xf32>,
        %gather3A_352 = tpu.vector_load_idx %arg7[%add3A_52, %add3A_313] : memref<256x64xf32, #tpu.memory_space<vmem>>[vector<16xi32>, vector<16xi32>], vector<16xf32>,
        %add3A_353 = arith.addi %mul3A_322, %add3A_100 : vector<16xi32>
        tpu.vector_store_idx %arg9[%shift_right_arithmetic3A_316, %broadcast_in_dim3A_131, %add3A_353], %gather3A_352 : memref<8x2x1024xf32, #tpu.memory_space<vmem>>[vector<16xi32>, vector<16xi32>, vector<16xi32>], vector<16xf32>,
      }
      %scan3A_235 = arith.constant 64 : i32
      %add3A_236 = arith.constant 0 : i32
      %add3A_237 = arith.addi %mul3A_4, %add3A_236 : i32
      %dma_start3A_238 = arith.constant 0 : i32
      %dma_start3A_239 = arith.constant 0 : i32
      %dma_start3A_240 = tpu.memref_slice %arg4[%scan3A_183, %dma_start3A_238, %add3A_237, %dma_start3A_239] : memref<200x8x128x1024xf32, #tpu.memory_space<hbm>> -> memref<1x8x2x1024xf32, #tpu.memory_space<hbm>>
      %dma_start3A_241 = tpu.memref_squeeze %dma_start3A_240 : memref<1x8x2x1024xf32, #tpu.memory_space<hbm>> -> memref<8x2x1024xf32, #tpu.memory_space<hbm>>
      %dma_start3A_242 = arith.constant 0 : i32
      %dma_start3A_243 = arith.constant 0 : i32
      %dma_start3A_244 = tpu.memref_slice %arg4[%scan3A_183, %dma_start3A_242, %add3A_237, %dma_start3A_243] : memref<200x8x128x1024xf32, #tpu.memory_space<hbm>> -> memref<1x8x2x1024xf32, #tpu.memory_space<hbm>>
      %dma_start3A_245 = tpu.memref_squeeze %dma_start3A_244 : memref<1x8x2x1024xf32, #tpu.memory_space<hbm>> -> memref<8x2x1024xf32, #tpu.memory_space<hbm>>
      tpu.enqueue_dma source(%arg9 : memref<8x2x1024xf32, #tpu.memory_space<vmem>>) target(%dma_start3A_245 : memref<8x2x1024xf32, #tpu.memory_space<hbm>>) target_semaphore(%arg13 : memref<!tpu.dma_semaphore, #tpu.memory_space<semaphore_mem>>)
      %dma_wait3A_246 = arith.constant 0 : i32
      %dma_wait3A_247 = arith.constant 0 : i32
      %dma_wait3A_248 = tpu.memref_slice %arg8[%dma_wait3A_246, %dma_wait3A_247] : memref<256x64xf32, #tpu.memory_space<vmem>> -> memref<128x64xf32, #tpu.memory_space<vmem>>
      %dma_wait3A_249 = arith.constant 0 : i32
      %dma_wait3A_250 = tpu.memref_slice %arg6[%dma_wait3A_249] : memref<256xi32, #tpu.memory_space<vmem>> -> memref<128xi32, #tpu.memory_space<vmem>>
      %dma_wait3A_251 = arith.constant 0 : i32
      %dma_wait3A_252 = arith.constant 0 : i32
      %dma_wait3A_253 = tpu.memref_slice %arg2[%dma_wait3A_251, %dma_wait3A_252] : memref<16384x64xf32, #tpu.memory_space<hbm>> -> memref<16384x64xf32, #tpu.memory_space<hbm>>
      tpu.wait_indirect_dma semaphore(%arg12 : memref<!tpu.dma_semaphore, #tpu.memory_space<semaphore_mem>>) src(%dma_wait3A_253 : memref<16384x64xf32, #tpu.memory_space<hbm>>) dst(%dma_wait3A_248 : memref<128x64xf32, #tpu.memory_space<vmem>>)
      %dma_wait3A_254 = arith.constant 128 : i32
      %dma_wait3A_255 = arith.constant 0 : i32
      %dma_wait3A_256 = tpu.memref_slice %arg8[%dma_wait3A_254, %dma_wait3A_255] : memref<256x64xf32, #tpu.memory_space<vmem>> -> memref<128x64xf32, #tpu.memory_space<vmem>>
      %dma_wait3A_257 = arith.constant 128 : i32
      %dma_wait3A_258 = tpu.memref_slice %arg6[%dma_wait3A_257] : memref<256xi32, #tpu.memory_space<vmem>> -> memref<128xi32, #tpu.memory_space<vmem>>
      %dma_wait3A_259 = arith.constant 0 : i32
      %dma_wait3A_260 = arith.constant 0 : i32
      %dma_wait3A_261 = tpu.memref_slice %arg2[%dma_wait3A_259, %dma_wait3A_260] : memref<16384x64xf32, #tpu.memory_space<hbm>> -> memref<16384x64xf32, #tpu.memory_space<hbm>>
      tpu.wait_indirect_dma semaphore(%arg12 : memref<!tpu.dma_semaphore, #tpu.memory_space<semaphore_mem>>) src(%dma_wait3A_261 : memref<16384x64xf32, #tpu.memory_space<hbm>>) dst(%dma_wait3A_256 : memref<128x64xf32, #tpu.memory_space<vmem>>)
      %add3A_262 = arith.constant 0 : i32
      %add3A_263 = arith.addi %mul3A_4, %add3A_262 : i32
      %dma_wait3A_264 = arith.constant 0 : i32
      %dma_wait3A_265 = arith.constant 0 : i32
      %dma_wait3A_266 = tpu.memref_slice %arg4[%scan3A_183, %dma_wait3A_264, %add3A_263, %dma_wait3A_265] : memref<200x8x128x1024xf32, #tpu.memory_space<hbm>> -> memref<1x8x2x1024xf32, #tpu.memory_space<hbm>>
      %dma_wait3A_267 = tpu.memref_squeeze %dma_wait3A_266 : memref<1x8x2x1024xf32, #tpu.memory_space<hbm>> -> memref<8x2x1024xf32, #tpu.memory_space<hbm>>
      %dma_wait3A_268 = arith.constant 0 : i32
      %dma_wait3A_269 = arith.constant 0 : i32
      %dma_wait3A_270 = tpu.memref_slice %arg4[%scan3A_183, %dma_wait3A_268, %add3A_263, %dma_wait3A_269] : memref<200x8x128x1024xf32, #tpu.memory_space<hbm>> -> memref<1x8x2x1024xf32, #tpu.memory_space<hbm>>
      %dma_wait3A_271 = tpu.memref_squeeze %dma_wait3A_270 : memref<1x8x2x1024xf32, #tpu.memory_space<hbm>> -> memref<8x2x1024xf32, #tpu.memory_space<hbm>>
      tpu.wait_dma2 semaphore(%arg13 : memref<!tpu.dma_semaphore, #tpu.memory_space<semaphore_mem>>) src(%arg9 : memref<8x2x1024xf32, #tpu.memory_space<vmem>>) dst(%dma_wait3A_271 : memref<8x2x1024xf32, #tpu.memory_space<hbm>>)
      %add3A_272 = arith.constant 1 : i32
      %add3A_273 = arith.addi %scan3A_183, %add3A_272 : i32
      %lt3A_274 = arith.constant 200 : i32
      %lt3A_275 = arith.cmpi slt, %add3A_273, %lt3A_274 : i32
      %convert_element_type3A_276 = arith.extui %lt3A_275 : i1 to i32
      %cond3A_277 = arith.constant 0 : i32
      %cond3A_278 = arith.cmpi ne, %convert_element_type3A_276, %cond3A_277 : i32
      scf.if %cond3A_278 {
        %add3A_302 = arith.constant 1 : i32
        %add3A_303 = arith.addi %scan3A_183, %add3A_302 : i32
        %add3A_304 = arith.constant 0 : i32
        %add3A_305 = arith.addi %mul3A_2, %add3A_304 : i32
        %dma_wait3A_306 = tpu.memref_slice %arg3[%add3A_303, %add3A_305] : memref<200x16384xi32, #tpu.memory_space<hbm>> -> memref<1x256xi32, #tpu.memory_space<hbm>>
        %dma_wait3A_307 = tpu.memref_squeeze %dma_wait3A_306 : memref<1x256xi32, #tpu.memory_space<hbm>> -> memref<256xi32, #tpu.memory_space<hbm>>
        %dma_wait3A_308 = tpu.memref_slice %arg3[%add3A_303, %add3A_305] : memref<200x16384xi32, #tpu.memory_space<hbm>> -> memref<1x256xi32, #tpu.memory_space<hbm>>
        %dma_wait3A_309 = tpu.memref_squeeze %dma_wait3A_308 : memref<1x256xi32, #tpu.memory_space<hbm>> -> memref<256xi32, #tpu.memory_space<hbm>>
        tpu.wait_dma2 semaphore(%arg11 : memref<!tpu.dma_semaphore, #tpu.memory_space<semaphore_mem>>) src(%dma_wait3A_309 : memref<256xi32, #tpu.memory_space<hbm>>) dst(%arg5 : memref<256xi32, #tpu.memory_space<vmem>>)
        %dma_start3A_310 = arith.constant 0 : i32
        %dma_start3A_311 = arith.constant 0 : i32
        %dma_start3A_312 = tpu.memref_slice %arg7[%dma_start3A_310, %dma_start3A_311] : memref<256x64xf32, #tpu.memory_space<vmem>> -> memref<128x64xf32, #tpu.memory_space<vmem>>
        %dma_start3A_313 = arith.constant 0 : i32
        %dma_start3A_314 = tpu.memref_slice %arg5[%dma_start3A_313] : memref<256xi32, #tpu.memory_space<vmem>> -> memref<128xi32, #tpu.memory_space<vmem>>
        %dma_start3A_315 = arith.constant 0 : i32
        %dma_start3A_316 = arith.constant 0 : i32
        %dma_start3A_317 = tpu.memref_slice %arg2[%dma_start3A_315, %dma_start3A_316] : memref<16384x64xf32, #tpu.memory_space<hbm>> -> memref<16384x64xf32, #tpu.memory_space<hbm>>
        tpu.enqueue_indirect_dma source(%dma_start3A_317 : memref<16384x64xf32, #tpu.memory_space<hbm>>) target(%dma_start3A_312 : memref<128x64xf32, #tpu.memory_space<vmem>>) offsets(%dma_start3A_314 : memref<128xi32, #tpu.memory_space<vmem>>) semaphore(%arg12 : memref<!tpu.dma_semaphore, #tpu.memory_space<semaphore_mem>>)
        %dma_start3A_318 = arith.constant 128 : i32
        %dma_start3A_319 = arith.constant 0 : i32
        %dma_start3A_320 = tpu.memref_slice %arg7[%dma_start3A_318, %dma_start3A_319] : memref<256x64xf32, #tpu.memory_space<vmem>> -> memref<128x64xf32, #tpu.memory_space<vmem>>
        %dma_start3A_321 = arith.constant 128 : i32
        %dma_start3A_322 = tpu.memref_slice %arg5[%dma_start3A_321] : memref<256xi32, #tpu.memory_space<vmem>> -> memref<128xi32, #tpu.memory_space<vmem>>
        %dma_start3A_323 = arith.constant 0 : i32
        %dma_start3A_324 = arith.constant 0 : i32
        %dma_start3A_325 = tpu.memref_slice %arg2[%dma_start3A_323, %dma_start3A_324] : memref<16384x64xf32, #tpu.memory_space<hbm>> -> memref<16384x64xf32, #tpu.memory_space<hbm>>
        tpu.enqueue_indirect_dma source(%dma_start3A_325 : memref<16384x64xf32, #tpu.memory_space<hbm>>) target(%dma_start3A_320 : memref<128x64xf32, #tpu.memory_space<vmem>>) offsets(%dma_start3A_322 : memref<128xi32, #tpu.memory_space<vmem>>) semaphore(%arg12 : memref<!tpu.dma_semaphore, #tpu.memory_space<semaphore_mem>>)
      } else {
      }
      %add3A_279 = arith.constant 1 : i32
      %add3A_280 = arith.addi %scan3A_183, %add3A_279 : i32
      %lt3A_281 = arith.constant 200 : i32
      %lt3A_282 = arith.cmpi slt, %add3A_280, %lt3A_281 : i32
      %convert_element_type3A_283 = arith.extui %lt3A_282 : i1 to i32
      %cond3A_284 = arith.constant 0 : i32
      %cond3A_285 = arith.cmpi ne, %convert_element_type3A_283, %cond3A_284 : i32
      scf.if %cond3A_285 {
        %add3A_302 = arith.constant 1 : i32
        %add3A_303 = arith.addi %scan3A_183, %add3A_302 : i32
        %add3A_304 = arith.constant 256 : i32
        %add3A_305 = arith.addi %mul3A_2, %add3A_304 : i32
        %dma_start3A_306 = tpu.memref_slice %arg3[%add3A_303, %add3A_305] : memref<200x16384xi32, #tpu.memory_space<hbm>> -> memref<1x256xi32, #tpu.memory_space<hbm>>
        %dma_start3A_307 = tpu.memref_squeeze %dma_start3A_306 : memref<1x256xi32, #tpu.memory_space<hbm>> -> memref<256xi32, #tpu.memory_space<hbm>>
        %dma_start3A_308 = tpu.memref_slice %arg3[%add3A_303, %add3A_305] : memref<200x16384xi32, #tpu.memory_space<hbm>> -> memref<1x256xi32, #tpu.memory_space<hbm>>
        %dma_start3A_309 = tpu.memref_squeeze %dma_start3A_308 : memref<1x256xi32, #tpu.memory_space<hbm>> -> memref<256xi32, #tpu.memory_space<hbm>>
        tpu.enqueue_dma source(%dma_start3A_309 : memref<256xi32, #tpu.memory_space<hbm>>) target(%arg6 : memref<256xi32, #tpu.memory_space<vmem>>) target_semaphore(%arg11 : memref<!tpu.dma_semaphore, #tpu.memory_space<semaphore_mem>>)
      } else {
      }
      %scan3A_286 = arith.constant 0 : i32
      %scan3A_287 = arith.constant 0 : i32
      %scan3A_288 = arith.constant 64 : i32
      %scan3A_289 = arith.addi %scan3A_287, %scan3A_288 : i32
      %scan3A_290 = arith.constant 1 : i32
      scf.for %scan3A_302 = %scan3A_287 to %scan3A_289 step %scan3A_290  : i32 {
        %and3A = arith.constant 15 : i32
        %and3A_303 = arith.andi %scan3A_302, %and3A : i32
        %add3A_304 = vector.broadcast %and3A_303 : i32 to vector<16xi32>
        %add3A_305 = arith.addi %iota3A, %add3A_304 : vector<16xi32>
        %and3A_306 = arith.constant 15 : i32
        %and3A_307 = vector.broadcast %and3A_306 : i32 to vector<16xi32>
        %and3A_308 = arith.andi %add3A_305, %and3A_307 : vector<16xi32>
        %shift_right_arithmetic3A = arith.constant 4 : i32
        %shift_right_arithmetic3A_309 = arith.shrsi %scan3A_302, %shift_right_arithmetic3A : i32
        %mul3A_310 = arith.constant 16 : i32
        %mul3A_311 = arith.muli %shift_right_arithmetic3A_309, %mul3A_310 : i32
        %add3A_312 = vector.broadcast %mul3A_311 : i32 to vector<16xi32>
        %add3A_313 = arith.addi %add3A_312, %and3A_308 : vector<16xi32>
        %shift_right_arithmetic3A_314 = arith.constant 3 : i32
        %shift_right_arithmetic3A_315 = vector.broadcast %shift_right_arithmetic3A_314 : i32 to vector<16xi32>
        %shift_right_arithmetic3A_316 = arith.shrsi %add3A_313, %shift_right_arithmetic3A_315 : vector<16xi32>
        %and3A_317 = arith.constant 7 : i32
        %and3A_318 = vector.broadcast %and3A_317 : i32 to vector<16xi32>
        %and3A_319 = arith.andi %add3A_313, %and3A_318 : vector<16xi32>
        %mul3A_320 = arith.constant 128 : i32
        %mul3A_321 = vector.broadcast %mul3A_320 : i32 to vector<16xi32>
        %mul3A_322 = arith.muli %and3A_319, %mul3A_321 : vector<16xi32>
        %gather3A = tpu.vector_load_idx %arg8[%add3A_7, %add3A_313] : memref<256x64xf32, #tpu.memory_space<vmem>>[vector<16xi32>, vector<16xi32>], vector<16xf32>,
        %add3A_323 = arith.addi %mul3A_322, %add3A_55 : vector<16xi32>
        tpu.vector_store_idx %arg10[%shift_right_arithmetic3A_316, %broadcast_in_dim3A_101, %add3A_323], %gather3A : memref<8x2x1024xf32, #tpu.memory_space<vmem>>[vector<16xi32>, vector<16xi32>, vector<16xi32>], vector<16xf32>,
        %gather3A_324 = tpu.vector_load_idx %arg8[%add3A_10, %add3A_313] : memref<256x64xf32, #tpu.memory_space<vmem>>[vector<16xi32>, vector<16xi32>], vector<16xf32>,
        %add3A_325 = arith.addi %mul3A_322, %add3A_58 : vector<16xi32>
        tpu.vector_store_idx %arg10[%shift_right_arithmetic3A_316, %broadcast_in_dim3A_103, %add3A_325], %gather3A_324 : memref<8x2x1024xf32, #tpu.memory_space<vmem>>[vector<16xi32>, vector<16xi32>, vector<16xi32>], vector<16xf32>,
        %gather3A_326 = tpu.vector_load_idx %arg8[%add3A_13, %add3A_313] : memref<256x64xf32, #tpu.memory_space<vmem>>[vector<16xi32>, vector<16xi32>], vector<16xf32>,
        %add3A_327 = arith.addi %mul3A_322, %add3A_61 : vector<16xi32>
        tpu.vector_store_idx %arg10[%shift_right_arithmetic3A_316, %broadcast_in_dim3A_105, %add3A_327], %gather3A_326 : memref<8x2x1024xf32, #tpu.memory_space<vmem>>[vector<16xi32>, vector<16xi32>, vector<16xi32>], vector<16xf32>,
        %gather3A_328 = tpu.vector_load_idx %arg8[%add3A_16, %add3A_313] : memref<256x64xf32, #tpu.memory_space<vmem>>[vector<16xi32>, vector<16xi32>], vector<16xf32>,
        %add3A_329 = arith.addi %mul3A_322, %add3A_64 : vector<16xi32>
        tpu.vector_store_idx %arg10[%shift_right_arithmetic3A_316, %broadcast_in_dim3A_107, %add3A_329], %gather3A_328 : memref<8x2x1024xf32, #tpu.memory_space<vmem>>[vector<16xi32>, vector<16xi32>, vector<16xi32>], vector<16xf32>,
        %gather3A_330 = tpu.vector_load_idx %arg8[%add3A_19, %add3A_313] : memref<256x64xf32, #tpu.memory_space<vmem>>[vector<16xi32>, vector<16xi32>], vector<16xf32>,
        %add3A_331 = arith.addi %mul3A_322, %add3A_67 : vector<16xi32>
        tpu.vector_store_idx %arg10[%shift_right_arithmetic3A_316, %broadcast_in_dim3A_109, %add3A_331], %gather3A_330 : memref<8x2x1024xf32, #tpu.memory_space<vmem>>[vector<16xi32>, vector<16xi32>, vector<16xi32>], vector<16xf32>,
        %gather3A_332 = tpu.vector_load_idx %arg8[%add3A_22, %add3A_313] : memref<256x64xf32, #tpu.memory_space<vmem>>[vector<16xi32>, vector<16xi32>], vector<16xf32>,
        %add3A_333 = arith.addi %mul3A_322, %add3A_70 : vector<16xi32>
        tpu.vector_store_idx %arg10[%shift_right_arithmetic3A_316, %broadcast_in_dim3A_111, %add3A_333], %gather3A_332 : memref<8x2x1024xf32, #tpu.memory_space<vmem>>[vector<16xi32>, vector<16xi32>, vector<16xi32>], vector<16xf32>,
        %gather3A_334 = tpu.vector_load_idx %arg8[%add3A_25, %add3A_313] : memref<256x64xf32, #tpu.memory_space<vmem>>[vector<16xi32>, vector<16xi32>], vector<16xf32>,
        %add3A_335 = arith.addi %mul3A_322, %add3A_73 : vector<16xi32>
        tpu.vector_store_idx %arg10[%shift_right_arithmetic3A_316, %broadcast_in_dim3A_113, %add3A_335], %gather3A_334 : memref<8x2x1024xf32, #tpu.memory_space<vmem>>[vector<16xi32>, vector<16xi32>, vector<16xi32>], vector<16xf32>,
        %gather3A_336 = tpu.vector_load_idx %arg8[%add3A_28, %add3A_313] : memref<256x64xf32, #tpu.memory_space<vmem>>[vector<16xi32>, vector<16xi32>], vector<16xf32>,
        %add3A_337 = arith.addi %mul3A_322, %add3A_76 : vector<16xi32>
        tpu.vector_store_idx %arg10[%shift_right_arithmetic3A_316, %broadcast_in_dim3A_115, %add3A_337], %gather3A_336 : memref<8x2x1024xf32, #tpu.memory_space<vmem>>[vector<16xi32>, vector<16xi32>, vector<16xi32>], vector<16xf32>,
        %gather3A_338 = tpu.vector_load_idx %arg8[%add3A_31, %add3A_313] : memref<256x64xf32, #tpu.memory_space<vmem>>[vector<16xi32>, vector<16xi32>], vector<16xf32>,
        %add3A_339 = arith.addi %mul3A_322, %add3A_79 : vector<16xi32>
        tpu.vector_store_idx %arg10[%shift_right_arithmetic3A_316, %broadcast_in_dim3A_117, %add3A_339], %gather3A_338 : memref<8x2x1024xf32, #tpu.memory_space<vmem>>[vector<16xi32>, vector<16xi32>, vector<16xi32>], vector<16xf32>,
        %gather3A_340 = tpu.vector_load_idx %arg8[%add3A_34, %add3A_313] : memref<256x64xf32, #tpu.memory_space<vmem>>[vector<16xi32>, vector<16xi32>], vector<16xf32>,
        %add3A_341 = arith.addi %mul3A_322, %add3A_82 : vector<16xi32>
        tpu.vector_store_idx %arg10[%shift_right_arithmetic3A_316, %broadcast_in_dim3A_119, %add3A_341], %gather3A_340 : memref<8x2x1024xf32, #tpu.memory_space<vmem>>[vector<16xi32>, vector<16xi32>, vector<16xi32>], vector<16xf32>,
        %gather3A_342 = tpu.vector_load_idx %arg8[%add3A_37, %add3A_313] : memref<256x64xf32, #tpu.memory_space<vmem>>[vector<16xi32>, vector<16xi32>], vector<16xf32>,
        %add3A_343 = arith.addi %mul3A_322, %add3A_85 : vector<16xi32>
        tpu.vector_store_idx %arg10[%shift_right_arithmetic3A_316, %broadcast_in_dim3A_121, %add3A_343], %gather3A_342 : memref<8x2x1024xf32, #tpu.memory_space<vmem>>[vector<16xi32>, vector<16xi32>, vector<16xi32>], vector<16xf32>,
        %gather3A_344 = tpu.vector_load_idx %arg8[%add3A_40, %add3A_313] : memref<256x64xf32, #tpu.memory_space<vmem>>[vector<16xi32>, vector<16xi32>], vector<16xf32>,
        %add3A_345 = arith.addi %mul3A_322, %add3A_88 : vector<16xi32>
        tpu.vector_store_idx %arg10[%shift_right_arithmetic3A_316, %broadcast_in_dim3A_123, %add3A_345], %gather3A_344 : memref<8x2x1024xf32, #tpu.memory_space<vmem>>[vector<16xi32>, vector<16xi32>, vector<16xi32>], vector<16xf32>,
        %gather3A_346 = tpu.vector_load_idx %arg8[%add3A_43, %add3A_313] : memref<256x64xf32, #tpu.memory_space<vmem>>[vector<16xi32>, vector<16xi32>], vector<16xf32>,
        %add3A_347 = arith.addi %mul3A_322, %add3A_91 : vector<16xi32>
        tpu.vector_store_idx %arg10[%shift_right_arithmetic3A_316, %broadcast_in_dim3A_125, %add3A_347], %gather3A_346 : memref<8x2x1024xf32, #tpu.memory_space<vmem>>[vector<16xi32>, vector<16xi32>, vector<16xi32>], vector<16xf32>,
        %gather3A_348 = tpu.vector_load_idx %arg8[%add3A_46, %add3A_313] : memref<256x64xf32, #tpu.memory_space<vmem>>[vector<16xi32>, vector<16xi32>], vector<16xf32>,
        %add3A_349 = arith.addi %mul3A_322, %add3A_94 : vector<16xi32>
        tpu.vector_store_idx %arg10[%shift_right_arithmetic3A_316, %broadcast_in_dim3A_127, %add3A_349], %gather3A_348 : memref<8x2x1024xf32, #tpu.memory_space<vmem>>[vector<16xi32>, vector<16xi32>, vector<16xi32>], vector<16xf32>,
        %gather3A_350 = tpu.vector_load_idx %arg8[%add3A_49, %add3A_313] : memref<256x64xf32, #tpu.memory_space<vmem>>[vector<16xi32>, vector<16xi32>], vector<16xf32>,
        %add3A_351 = arith.addi %mul3A_322, %add3A_97 : vector<16xi32>
        tpu.vector_store_idx %arg10[%shift_right_arithmetic3A_316, %broadcast_in_dim3A_129, %add3A_351], %gather3A_350 : memref<8x2x1024xf32, #tpu.memory_space<vmem>>[vector<16xi32>, vector<16xi32>, vector<16xi32>], vector<16xf32>,
        %gather3A_352 = tpu.vector_load_idx %arg8[%add3A_52, %add3A_313] : memref<256x64xf32, #tpu.memory_space<vmem>>[vector<16xi32>, vector<16xi32>], vector<16xf32>,
        %add3A_353 = arith.addi %mul3A_322, %add3A_100 : vector<16xi32>
        tpu.vector_store_idx %arg10[%shift_right_arithmetic3A_316, %broadcast_in_dim3A_131, %add3A_353], %gather3A_352 : memref<8x2x1024xf32, #tpu.memory_space<vmem>>[vector<16xi32>, vector<16xi32>, vector<16xi32>], vector<16xf32>,
      }
      %scan3A_291 = arith.constant 64 : i32
      %add3A_292 = arith.constant 2 : i32
      %add3A_293 = arith.addi %mul3A_4, %add3A_292 : i32
      %dma_start3A_294 = arith.constant 0 : i32
      %dma_start3A_295 = arith.constant 0 : i32
      %dma_start3A_296 = tpu.memref_slice %arg4[%scan3A_183, %dma_start3A_294, %add3A_293, %dma_start3A_295] : memref<200x8x128x1024xf32, #tpu.memory_space<hbm>> -> memref<1x8x2x1024xf32, #tpu.memory_space<hbm>>
      %dma_start3A_297 = tpu.memref_squeeze %dma_start3A_296 : memref<1x8x2x1024xf32, #tpu.memory_space<hbm>> -> memref<8x2x1024xf32, #tpu.memory_space<hbm>>
      %dma_start3A_298 = arith.constant 0 : i32
      %dma_start3A_299 = arith.constant 0 : i32
      %dma_start3A_300 = tpu.memref_slice %arg4[%scan3A_183, %dma_start3A_298, %add3A_293, %dma_start3A_299] : memref<200x8x128x1024xf32, #tpu.memory_space<hbm>> -> memref<1x8x2x1024xf32, #tpu.memory_space<hbm>>
      %dma_start3A_301 = tpu.memref_squeeze %dma_start3A_300 : memref<1x8x2x1024xf32, #tpu.memory_space<hbm>> -> memref<8x2x1024xf32, #tpu.memory_space<hbm>>
      tpu.enqueue_dma source(%arg10 : memref<8x2x1024xf32, #tpu.memory_space<vmem>>) target(%dma_start3A_301 : memref<8x2x1024xf32, #tpu.memory_space<hbm>>) target_semaphore(%arg13 : memref<!tpu.dma_semaphore, #tpu.memory_space<semaphore_mem>>)
    }
    %scan3A_171 = arith.constant 200 : i32
    %add3A_172 = arith.constant 2 : i32
    %add3A_173 = arith.addi %mul3A_4, %add3A_172 : i32
    %dma_wait3A_174 = arith.constant 199 : i32
    %dma_wait3A_175 = arith.constant 0 : i32
    %dma_wait3A_176 = arith.constant 0 : i32
    %dma_wait3A_177 = tpu.memref_slice %arg4[%dma_wait3A_174, %dma_wait3A_175, %add3A_173, %dma_wait3A_176] : memref<200x8x128x1024xf32, #tpu.memory_space<hbm>> -> memref<1x8x2x1024xf32, #tpu.memory_space<hbm>>
    %dma_wait3A_178 = tpu.memref_squeeze %dma_wait3A_177 : memref<1x8x2x1024xf32, #tpu.memory_space<hbm>> -> memref<8x2x1024xf32, #tpu.memory_space<hbm>>
    %dma_wait3A_179 = arith.constant 0 : i32
    %dma_wait3A_180 = arith.constant 0 : i32
    %dma_wait3A_181 = tpu.memref_slice %arg4[%dma_wait3A_174, %dma_wait3A_179, %add3A_173, %dma_wait3A_180] : memref<200x8x128x1024xf32, #tpu.memory_space<hbm>> -> memref<1x8x2x1024xf32, #tpu.memory_space<hbm>>
    %dma_wait3A_182 = tpu.memref_squeeze %dma_wait3A_181 : memref<1x8x2x1024xf32, #tpu.memory_space<hbm>> -> memref<8x2x1024xf32, #tpu.memory_space<hbm>>
    tpu.wait_dma2 semaphore(%arg13 : memref<!tpu.dma_semaphore, #tpu.memory_space<semaphore_mem>>) src(%arg10 : memref<8x2x1024xf32, #tpu.memory_space<vmem>>) dst(%dma_wait3A_182 : memref<8x2x1024xf32, #tpu.memory_space<hbm>>)
    return
  }
}

</mosaic_0001>

<sc_bundles>
// kernel: kernel.3.cloned.1.call-start
scs
__scs_entry_jumppad:
0x0: {  	(pc) =	sbr.rel $0x88, $3  }
0x1: {  	(tag) =	ssettag $0x0;
	lr =	simm.s32 $0x1  }
0x2: {  	[smem:$0x3F9F] =	sst lr;
	_ =	strace $0xD0000000  }
0x3: {  	_ = 	snop  }
0x4: {  	_ = 	snop  }
0x5: {  	_ = 	snop  }
0x6: {  	_ = 	snop  }
0x7: {  	_ = 	snop  }
__scs_overlays_trampoline_lowered:
0x8: {  	[smem:$0x3FAE] =	sst s0  }
0x9: {  	[smem:$0x3FAF] =	sst s1  }
0xa: {  	[smem:$0x3FB0] =	sst s2  }
0xb: {  	[smem:$0x3FB1] =	sst s3  }
0xc: {  	[smem:$0x3FB2] =	sst s4  }
0xd: {  	[smem:$0x3FB3] =	sst s5  }
0xe: {  	[smem:$0x3FB4] =	sst s6  }
0xf: {  	[smem:$0x3FB5] =	sst s7  }
0x10: {  	[smem:$0x3FB6] =	sst s8  }
0x11: {  	[smem:$0x3FB7] =	sst s9;
	s0 =	simm.s32 @!p0 $0x0  }
0x12: {  	s1 =	sld [smem:$0x3F9D];
	s0 =	simm.s32 @p0 $0x1  }
0x13: {  	[smem:$0x3FB8] =	sst s0;
	s0 =	simm.s32 @!p1 $0x0  }
0x14: {  	s2 =	sld [smem:$0x3F9C];
	s0 =	simm.s32 @p1 $0x1  }
0x15: {  	[smem:$0x3FB9] =	sst s0;
	s0 =	simm.s32 @!p2 $0x0  }
0x16: {  	s3 =	sld [smem:$0x3FDB];
	s0 =	simm.s32 @p2 $0x1  }
0x17: {  	s4 =	simm.s32 $0x1BF5;
	[smem:$0x3FBB] =	sst s0  }
0x18: {  	s0 =	sld [smem:$0x3F9E];
	_ =	swait.ge [sflag:s4], $0x0  }
0x19: {  	s7 =	sld [smem:$0x3F9F]  }
0x1a: {  	s8 =	sadd.s32 $0xFFFFE003, lr  }
0x1b: {  	s9 =	sadd.s32 $0xFFFFFEF7, lr;
	s5 =	simm.s32 $0xFFFFFFFF;
	p2 =	slt.u32 s8, $0xFFFFF086  }
0x1c: {  	p1 =	slt.u32 s9, $0xF7A;
	s5 =	simm.s32 @!p2 $0x0  }
0x1d: {  	s5 =	simm.s32 @p1 $0x1;
	p0 =	seq.s32 s7, s2  }
0x1e: {  	s7 =	smul.u32 @!p0 $0xF7A, s2;
	p2 =	seq.s32 @!p0 s5, $0x0  }
0x1f: {  	s9 =	smul.u32 $0xF7A, s1;
	s8 =	simm.s32 @!p0 $0x1BF5;
	p2 =	por !p2, p0  }
0x20: {  	[sflag:s8] =	ssyncset.s32 @!p0 $0xFFFFF086;
	s6 =	sadd.s32 @!p0 s3, s7;
	s7 =	simm.s32 @!p0 $0x108  }
0x21: {  	s3 =	sadd.s32 s3, s9;
	s6 =	sadd.s32 @!p0 $0x88, s6;
	s7 =	simm.s32 @p2 $0x1082  }
0x22: {  	[simem:s7], [sflag:s8] =	dma.local @!p0 [hbm:s6], $0xF7A  }
0x23: {  	s9 =	sor.u32 $0xD0000000, s2;
	s6 =	simm.s32 $0x108;
	_ =	swait.ge @!p0 [sflag:s8], $0x0  }
0x24: {  	s3 =	sadd.s32 $0x88, s3;
	s6 =	simm.s32 @!p1 $0x1082;
	[sflag:s4] =	ssyncset.s32 $0xFFFFF086  }
0x25: {  	[simem:s6], [sflag:s4] =	dma.local [hbm:s3], $0xF7A  }
0x26: {  	[smem:$0x3F9F] =	sst s1;
	(tag) =	ssettag s2;
	_ =	strace s9  }
0x27: {  	s1 =	sld [smem:$0x3FAF]  }
0x28: {  	s2 =	sld [smem:$0x3FB0]  }
0x29: {  	s4 =	sld [smem:$0x3FB2]  }
0x2a: {  	p0 =	seq.s32 s5, $0x0;
	s5 =	sld [smem:$0x3FB3]  }
0x2b: {  	s6 =	sld [smem:$0x3FB4]  }
0x2c: {  	s7 =	sld [smem:$0x3FB5]  }
0x2d: {  	s3 =	simm.s32 $0x108;
	s8 =	sld [smem:$0x3FB6]  }
0x2e: {  	s3 =	simm.s32 @!p0 $0x1082;
	s9 =	sld [smem:$0x3FB7]  }
0x2f: {  	lr =	sadd.s32 s0, s3;
	s0 =	sld [smem:$0x3FAE]  }
0x30: {  	s3 =	sld [smem:$0x3FB1]  }
0x31: {  	[smem:$0x3FBA] =	sst s10  }
0x32: {  	s10 =	sld [smem:$0x3FB8];
	_ =	sdelay $0x3  }
0x33: {  	p0 =	seq.s32 s10, $0x1;
	s10 =	sld [smem:$0x3FBA];
	_ =	sdelay $0x3  }
0x34: {  	[smem:$0x3FBA] =	sst s10  }
0x35: {  	s10 =	sld [smem:$0x3FB9];
	_ =	sdelay $0x3  }
0x36: {  	p1 =	seq.s32 s10, $0x1;
	s10 =	sld [smem:$0x3FBA];
	_ =	sdelay $0x3  }
0x37: {  	[smem:$0x3FBA] =	sst s10  }
0x38: {  	s10 =	sld [smem:$0x3FBB]  }
0x39: {  	_ = 	snop;
	(pc) =	sbr.ind lr, $3  }
0x3a: {  	_ = 	snop  }
0x3b: {  	_ = 	snop  }
0x3c: {  	p2 =	seq.s32 s10, $0x1;
	s10 =	sld [smem:$0x3FBA]  }
0x3d: {  	_ =	shalt  }
0x3e: {  	_ =	shalt  }
0x3f: {  	_ =	shalt  }
0x40: {  	_ =	shalt  }
0x41: {  	_ =	shalt  }
0x42: {  	_ =	shalt  }
0x43: {  	_ =	shalt  }
0x44: {  	_ =	shalt  }
0x45: {  	_ =	shalt  }
0x46: {  	_ =	shalt  }
0x47: {  	_ =	shalt  }
0x48: {  	_ =	shalt  }
0x49: {  	_ =	shalt  }
0x4a: {  	_ =	shalt  }
0x4b: {  	_ =	shalt  }
0x4c: {  	_ =	shalt  }
0x4d: {  	_ =	shalt  }
0x4e: {  	_ =	shalt  }
0x4f: {  	_ =	shalt  }
0x50: {  	_ =	shalt  }
0x51: {  	_ =	shalt  }
0x52: {  	_ =	shalt  }
0x53: {  	_ =	shalt  }
0x54: {  	_ =	shalt  }
0x55: {  	_ =	shalt  }
0x56: {  	_ =	shalt  }
0x57: {  	_ =	shalt  }
0x58: {  	_ =	shalt  }
0x59: {  	_ =	shalt  }
0x5a: {  	_ =	shalt  }
0x5b: {  	_ =	shalt  }
0x5c: {  	_ =	shalt  }
0x5d: {  	_ =	shalt  }
0x5e: {  	_ =	shalt  }
0x5f: {  	_ =	shalt  }
0x60: {  	_ =	shalt  }
0x61: {  	_ =	shalt  }
0x62: {  	_ =	shalt  }
0x63: {  	_ =	shalt  }
0x64: {  	_ =	shalt  }
0x65: {  	_ =	shalt  }
0x66: {  	_ =	shalt  }
0x67: {  	_ =	shalt  }
0x68: {  	_ =	shalt  }
0x69: {  	_ =	shalt  }
0x6a: {  	_ =	shalt  }
0x6b: {  	_ =	shalt  }
0x6c: {  	_ =	shalt  }
0x6d: {  	_ =	shalt  }
0x6e: {  	_ =	shalt  }
0x6f: {  	_ =	shalt  }
0x70: {  	_ =	shalt  }
0x71: {  	_ =	shalt  }
0x72: {  	_ =	shalt  }
0x73: {  	_ =	shalt  }
0x74: {  	_ =	shalt  }
0x75: {  	_ =	shalt  }
0x76: {  	_ =	shalt  }
0x77: {  	_ =	shalt  }
0x78: {  	_ =	shalt  }
0x79: {  	_ =	shalt  }
0x7a: {  	_ =	shalt  }
0x7b: {  	_ =	shalt  }
0x7c: {  	_ =	shalt  }
0x7d: {  	_ =	shalt  }
0x7e: {  	_ =	shalt  }
0x7f: {  	_ =	shalt  }
0x80: {  	_ =	shalt  }
0x81: {  	_ =	shalt  }
0x82: {  	_ =	shalt  }
0x83: {  	_ =	shalt  }
0x84: {  	_ =	shalt  }
0x85: {  	_ =	shalt  }
0x86: {  	_ =	shalt  }
0x87: {  	_ =	shalt  }
.Lfunc_end0:
.L_simem_size_0:
called_computation_lowered:
.L_overlay_start_0:
0x88: {  	s2 =	sld [smem:$0x3FD9]  }
0x89: {  	s3 =	sld [smem:$0x3FFE];
	_ =	sdelay $0x1  }
0x8a: {  	s1 =	srdreg.scid  }
0x8b: {  	s0 =	sand.u32 $0x1, s1  }
0x8c: {  	s17 =	sshll.u32 s0, $0xA;
	s2 =	sadd.s32 s3, s2  }
0x8d: {  	s2 =	sadd.s32 s2, s17  }
0x8e: {  	[smem:$0x3FC6] =	sst s2  }
0x8f: {  	_ = 	snop  }
0x90: {  	s2 =	sld [smem:$0x3FD0];
	(tm) =	ssettm $0x1  }
0x91: {  	s18 =	sld [smem:$0x3FFB];
	_ =	sdelay $0x3  }
0x92: {  	_ =	strace s18  }
0x93: {  	s3 =	sld [smem:$0x3FFC];
	_ =	sdelay $0x3  }
0x94: {  	_ =	strace s3  }
0x95: {  	s3 =	sld [smem:$0x3FFD];
	_ =	sdelay $0x3  }
0x96: {  	_ =	strace s3  }
0x97: {  	_ =	strace $0x8FFFFFFF  }
0x98: {  	s19 =	sld [smem:$0x3FDB];
	_ =	sdelay $0x1  }
0x99: {  	s4 =	simm.s32 $_scs_section_size  }
0x9a: {  	s5 =	simm.s32 $_size__tile_overlayer_lowered;
	s6 =	simm.s32 $_tile_overlayer_lowered  }
0x9b: {  	s22 =	simm.s32 $0x1BFF;
	s21 =	sshll.u32 s6, $0x1;
	s3 =	sadd.s32 s4, s19  }
0x9c: {  	s7 =	simm.s32 $0x0;
	s20 =	sshll.u32 s5, $0x1;
	s5 =	sadd.s32 s21, s3  }
0x9d: {  	[timem:s7], [sflag:s22] =	dma.local [hbm:s5], s20  }
0x9e: {  	_ =	swait.ge [sflag:s22], s20  }
0x9f: {  	s4 =	ssub.s32 $0x0, s20;
	[sflag:s22] =	ssyncset.done $0x0  }
0xa0: {  	[sflag:s22] =	ssyncadd.s32 s4;
	_ =	sdelay $0x1  }
0xa1: {  	s23 =	simm.s32 $0x1B8B  }
0xa2: {  	_ =	swait.ge [sflag:s23], $0x1  }
0xa3: {  	[sflag:s23] =	ssyncset.done $0x0  }
0xa4: {  	s25 =	simm.s32 $0x1B8E;
	s24 =	sld [smem:$0x3FFE];
	[sflag:s23] =	ssyncadd.s32 $0xFFFFFFFF  }
0xa5: {  	s26 =	simm.s32 $execute0_lowered;
	[smem:$0x3FD2] =	sst s25  }
0xa6: {  	s5 =	sshll.u32 s26, $0x1;
	_ =	strace $0x80000046;
	[dreg:$0x1] =	wrdreg $0xFFFFFFFF  }
0xa7: {  	s28 =	simm.s32 $_size_execute0_lowered;
	s3 =	sadd.s32 s3, s5;
	[dreg:$0x0] =	wrdreg $0x0  }
0xa8: {  	s5 =	sshll.u32 s28, $0x1;
	[dreg:$0x2] =	wrdreg s3  }
0xa9: {  	[dreg:$0x3] =	wrdreg s5  }
0xaa: {  	[dreg:$0x4] =	wrdreg $0xC0  }
0xab: {  	_ =	task [dreg:s7], $0x5FFFF  }
0xac: {  	[dreg:$0x1] =	wrdreg $0xFFFFFFFF  }
0xad: {  	[dreg:$0x0] =	wrdreg $0x60  }
0xae: {  	[dreg:$0x2] =	wrdreg s24  }
0xaf: {  	[dreg:$0x3] =	wrdreg s2  }
0xb0: {  	[dreg:$0x4] =	wrdreg $0x9  }
0xb1: {  	_ =	task.clear_ibuf [dreg:s7], $0x5FFFF;
	_ =	strace $0x90000046  }
0xb2: {  	s29 =	simm.s32 $0x9;
	_ =	strace $0x80000048  }
0xb3: {  	_ =	swait.ge [sflag:s29], $0x1  }
0xb4: {  	[sflag:s29] =	ssyncadd.s32 $0xFFFFFFFF  }
0xb5: {  	_ =	strace $0x90000048  }
0xb6: {  	_ =	sfence  }
0xb7: {  	s30 =	sld [smem:$0x0];
	_ =	sdelay $0x2  }
0xb8: {  	s31 =	sshll.u32 s1, $0xD;
	s1 =	sshrl.u32 s1, $0x2  }
0xb9: {  	s3 =	sand.u32 $0x4000, s31;
	s1 =	sadd.s32 s1, s30  }
0xba: {  	s0 =	sor.u32 s3, s0;
	s1 =	sshll.u32 s1, $0x11  }
0xbb: {  	s0 =	sor.u32 s1, s0  }
0xbc: {  	s0 =	sadd.s32 $0x8F2B, s0  }
0xbd: {  	[sflag:s0] =	ssyncadd.remote.s32 $0x1  }
0xbe: {  	_ =	sfence.sel $0xFFFF  }
0xbf: {  	[dreg:$0x0] =	wrdreg $0xFFFFFFFF;
	(pc) =	sbr.abs _section_cstart, $3  }
0xc0: {  	[dreg:$0x1] =	wrdreg $0xFFFFFFFF  }
0xc1: {  	_ =	task.clear_ibuf [dreg:s7], $0x2FFFF;
	_ =	strace $0x9FFFFFFF  }
0xc2: {  	(tm) =	ssettm $0x7FFFFFFF  }
0xc3: {  	_ =	shalt  }
tec
execute0_lowered:
.L_overlay_start_1:
0x0: {  	(tag) =	ssettag $0x1  }
0x1: {  	s0 =	rddreg [dreg:$0x0]  }
0x2: {  	s2 =	rddreg [dreg:$0x1]  }
0x3: {  	s3 =	simm.s32 $0x0;
	s1 =	srdreg.scid;
	s4 =	stileid.u32  }
0x4: {  	s12 =	simm.s32 $0x100;
	s13 =	simm.s32 $0x1;
	s14 =	simm.s32 $0x80  }
0x5: {  	v0 =	vlaneseq.u32;
	s15 =	simm.s32 $0x200;
	s16 =	simm.s32 $0x2200;
	s17 =	simm.s32 $0x2  }
0x6: {  	s18 =	simm.s32 $0x4200;
	s19 =	simm.s32 $0x180;
	s20 =	simm.s32 $0x6200;
	v1 =	vmul.u32 $0x40, v0  }
0x7: {  	s21 =	simm.s32 $0x8200;
	s22 =	simm.s32 $0x800;
	s23 =	simm.s32 $0x20000;
	v2 =	vand.u32 $0x7, v0;
	v4 =	vor.u32 $0x10, v0;
	v6 =	vor.u32 $0x20, v0  }
0x8: {  	s24 =	simm.s32 $0x3;
	s25 =	simm.s32 $0xC200;
	s26 =	simm.s32 $0x0;
	v8 =	vor.u32 $0x30, v0;
	v10 =	vor.u32 $0x40, v0;
	v12 =	vor.u32 $0x50, v0  }
0x9: {  	[smem:$0x7FF] =	sst s3;
	s1 =	sand.u32 $0x1, s1;
	s4 =	sshll.u32 s4, $0x1;
	v14 =	vor.u32 $0x60, v0;
	v16 =	vor.u32 $0x70, v0;
	v18 =	vor.u32 $0x400, v2  }
0xa: {  	s6 =	sadd.s32 $0x20600, s0;
	s7 =	ssub.s32 $0x2, s1;
	s1 =	sor.u32 s1, s4;
	v3 =	vor.u32 $0x400, v1;
	v5 =	vor.u32 $0x800, v1;
	v7 =	vor.u32 $0xC00, v1  }
0xb: {  	_ =	strace $0x80000047;
	s8 =	sshrl.u32 s7, $0x1;
	s5 =	sshll.u32 s1, $0x9;
	v9 =	vor.u32 $0x1000, v1;
	v11 =	vor.u32 $0x1400, v1;
	v13 =	vor.u32 $0x1800, v1  }
0xc: {  	s4 =	sadd.s32 $0x600, s0;
	v15 =	vor.u32 $0x1C00, v1;
	v17 =	vor.u32 $0x2000, v1;
	v19 =	vor.u32 $0x2400, v1;
	s31 =	ssub.s32 s7, s8;
	s7 =	sor.u32 $0x100, s5  }
0xd: {  	v20 =	vor.u32 $0x2800, v1;
	v21 =	vor.u32 $0x2C00, v1;
	v22 =	vor.u32 $0x3000, v1;
	s8 =	sshll.u32 s1, $0xC;
	s1 =	sshll.u32 s1, $0x6;
	s10 =	sshrl.u32 s7, $0x3  }
0xe: {  	v23 =	vor.u32 $0x3400, v1;
	v24 =	vor.u32 $0x3800, v1;
	v25 =	vor.u32 $0x3C00, v1;
	s9 =	sadd.s32 s6, s1;
	s11 =	smax.u32 s31, $0x1;
	s10 =	sadd.s32 s6, s10  }
.LBB2_1:
0xf: {  	[tilespmem:s3], [sflag:$0x1] =	stream.linear.gather [hbm4b:s9+s3], $0x100, $0x38;
	[tilespmem:$0x10200] =	vst v63  }
0x10: {  	_ = 	snop  }
0x11: {  	[tilespmem:s12], [sflag:$0x1] =	stream.linear.gather [hbm4b:s10+s3], $0x100, $0x38;
	[tilespmem:$0x10200] =	vst v63  }
0x12: {  	_ =	swait.ge [sflag:s13], $0x100  }
0x13: {  	[sflag:s13] =	ssyncset.done $0x0  }
0x14: {  	[sflag:s13] =	ssyncadd.s32 $0xFFFFFF00  }
0x15: {  	[tilespmem:s15], [sflag:$0x2] =	stream.indirect.gather [hbm4b:s4+s14], $0x40, s3, s14, $0xb8;
	[tilespmem:$0x10200] =	vst v63  }
0x16: {  	s30 =	simm.s32 $0x0  }
0x17: {  	[tilespmem:s16], [sflag:$0x2] =	stream.indirect.gather [hbm4b:s4+s14], $0x40, s14, s14, $0xb8;
	[tilespmem:$0x10200] =	vst v63  }
.LBB2_2:
0x18: {  	_ =	swait.ge [sflag:s17], $0x2000  }
0x19: {  	[sflag:s17] =	ssyncset.done $0x0  }
0x1a: {  	[sflag:s17] =	ssyncadd.s32 $0xFFFFE000  }
0x1b: {  	_ =	swait.ge [sflag:s17], $0x2000  }
0x1c: {  	p0 =	seq.s32 s30, $0x0;
	[sflag:s17] =	ssyncset.done $0x0  }
0x1d: {  	s0 =	simm.s32 @!p0 $0x3;
	[sflag:s17] =	ssyncadd.s32 $0xFFFFE000  }
0x1e: {  	_ =	swait.ge @!p0 [sflag:s0], $0x4000  }
0x1f: {  	[sflag:s0] =	ssyncset.done @!p0 $0x0  }
0x20: {  	[sflag:s0] =	ssyncadd.s32 @!p0 $0xFFFFC000;
	s0 =	simm.s32 $0x0  }
0x21: {  	s1 =	sand.u32 $0xF, s0  }
0x22: {  	v26 =	vadd.s32 s1, v0  }
0x23: {  	_ =	swait.ge [sflag:s13], $0x100;
	s0 =	sand.u32 $0x30, s0;
	v27 =	vand.u32 $0xF, v26  }
0x24: {  	s28 =	sadd.s32 $0x1, s30;
	p0 =	seq.s32 s30, $0xC7;
	[sflag:s13] =	ssyncset.done $0x0;
	v27 =	vor.u32 s0, v27  }
0x25: {  	s29 =	sshll.u32 @!p0 s28, $0xE;
	[sflag:s13] =	ssyncadd.s32 $0xFFFFFF00;
	v29 =	vand.u32 $0x7, v26;
	v28 =	vand.u32 $0x38, v27  }
0x26: {  	[tilespmem:s18], [sflag:$0x2] =	stream.indirect.gather [hbm4b:s4+s14], $0x40, s12, s14, $0xb8;
	v31 =	vor.u32 v29, v28;
	[tilespmem:$0x10200] =	vst v63  }
0x27: {  	s0 =	sor.u32 @!p0 s5, s29;
	v28 =	vor.u32 v1, v31  }
0x28: {  	s0 =	sshrl.u32 @!p0 s0, $0x3  }
0x29: {  	v26 =	vshll.u32 v26, $0x7;
	v27 =	vshll.u32 v27, $0x8;
	[tilespmem:s20], [sflag:$0x2] =	stream.indirect.gather [hbm4b:s4+s14], $0x40, s19, s14, $0xb8;
	[tilespmem:$0x10200] =	vst v63  }
0x2a: {  	s1 =	simm.s32 @!p0 $0x0;
	s0 =	sadd.s32 @!p0 s6, s0;
	v29 =	vor.u32 v0, v26;
	v30 =	vand.u32 $0x3800, v27  }
0x2b: {  	v29 =	vand.u32 $0x388, v29;
	v32 =	vor.u32 v2, v30;
	[tilespmem:s1], [sflag:$0x1] =	stream.linear.gather @!p0 [hbm4b:s0+s1], $0x100, $0x38;
	[tilespmem:$0x10200] =	vst v63  }
0x2c: {  	v27 =	vld.idx.msk [tilespmem:v28+s15+$0x0], $0xffff;
	v28 =	vor.u32 v29, v32  }
0x2d: {  	v33 =	vor.u32 v3, v31;
	_ =	sdelay $0x2  }
0x2e: {  	v34 =	vor.u32 v4, v26  }
0x2f: {  	v34 =	vand.u32 $0x398, v34;
	[tilespmem:v28+s21+$0x0] =	vst.idx.msk $0xffff, v27  }
0x30: {  	v28 =	vor.u32 v34, v32;
	v27 =	vld.idx.msk [tilespmem:v33+s15+$0x0], $0xffff  }
0x31: {  	v57 =	vor.u32 v5, v31;
	_ =	sdelay $0x2  }
0x32: {  	v35 =	vor.u32 v6, v26  }
0x33: {  	v35 =	vand.u32 $0x3A8, v35;
	[tilespmem:v28+s21+$0x0] =	vst.idx.msk $0xffff, v27  }
0x34: {  	v28 =	vor.u32 v35, v32;
	v27 =	vld.idx.msk [tilespmem:v57+s15+$0x0], $0xffff  }
0x35: {  	v58 =	vor.u32 v7, v31;
	_ =	sdelay $0x2  }
0x36: {  	v36 =	vor.u32 v8, v26  }
0x37: {  	v36 =	vand.u32 $0x3B8, v36;
	[tilespmem:v28+s21+$0x0] =	vst.idx.msk $0xffff, v27  }
0x38: {  	v28 =	vor.u32 v36, v32;
	v27 =	vld.idx.msk [tilespmem:v58+s15+$0x0], $0xffff  }
0x39: {  	v59 =	vor.u32 v9, v31;
	_ =	sdelay $0x2  }
0x3a: {  	v37 =	vor.u32 v10, v26  }
0x3b: {  	v37 =	vand.u32 $0x3C8, v37;
	[tilespmem:v28+s21+$0x0] =	vst.idx.msk $0xffff, v27  }
0x3c: {  	v28 =	vor.u32 v37, v32;
	v27 =	vld.idx.msk [tilespmem:v59+s15+$0x0], $0xffff  }
0x3d: {  	v60 =	vor.u32 v11, v31;
	_ =	sdelay $0x2  }
0x3e: {  	v38 =	vor.u32 v12, v26  }
0x3f: {  	v38 =	vand.u32 $0x3D8, v38;
	[tilespmem:v28+s21+$0x0] =	vst.idx.msk $0xffff, v27  }
0x40: {  	v28 =	vor.u32 v38, v32;
	v27 =	vld.idx.msk [tilespmem:v60+s15+$0x0], $0xffff  }
0x41: {  	v61 =	vor.u32 v13, v31;
	_ =	sdelay $0x2  }
0x42: {  	v39 =	vor.u32 v14, v26  }
0x43: {  	v39 =	vand.u32 $0x3E8, v39;
	[tilespmem:v28+s21+$0x0] =	vst.idx.msk $0xffff, v27  }
0x44: {  	v28 =	vor.u32 v39, v32;
	v27 =	vld.idx.msk [tilespmem:v61+s15+$0x0], $0xffff  }
0x45: {  	v62 =	vor.u32 v15, v31;
	_ =	sdelay $0x2  }
0x46: {  	v26 =	vor.u32 v16, v26  }
0x47: {  	[tilespmem:v28+s21+$0x0] =	vst.idx.msk $0xffff, v27;
	v27 =	vand.u32 $0x3F8, v26  }
0x48: {  	v26 =	vld.idx.msk [tilespmem:v62+s15+$0x0], $0xffff;
	v28 =	vor.u32 v27, v32  }
0x49: {  	v63 =	vor.u32 v17, v31;
	_ =	sdelay $0x3  }
0x4a: {  	[tilespmem:v28+s21+$0x0] =	vst.idx.msk $0xffff, v26;
	v28 =	vor.u32 v18, v30  }
0x4b: {  	v26 =	vld.idx.msk [tilespmem:v63+s15+$0x0], $0xffff;
	v29 =	vor.u32 v29, v28  }
0x4c: {  	v30 =	vor.u32 v19, v31;
	_ =	sdelay $0x3  }
0x4d: {  	[tilespmem:v29+s21+$0x0] =	vst.idx.msk $0xffff, v26  }
0x4e: {  	v29 =	vor.u32 v34, v28;
	v26 =	vld.idx.msk [tilespmem:v30+s15+$0x0], $0xffff  }
0x4f: {  	v30 =	vor.u32 v20, v31;
	_ =	sdelay $0x3  }
0x50: {  	[tilespmem:v29+s21+$0x0] =	vst.idx.msk $0xffff, v26  }
0x51: {  	v29 =	vor.u32 v35, v28;
	v26 =	vld.idx.msk [tilespmem:v30+s15+$0x0], $0xffff  }
0x52: {  	v30 =	vor.u32 v21, v31;
	_ =	sdelay $0x3  }
0x53: {  	[tilespmem:v29+s21+$0x0] =	vst.idx.msk $0xffff, v26  }
0x54: {  	v29 =	vor.u32 v36, v28;
	v26 =	vld.idx.msk [tilespmem:v30+s15+$0x0], $0xffff  }
0x55: {  	v30 =	vor.u32 v22, v31;
	_ =	sdelay $0x3  }
0x56: {  	[tilespmem:v29+s21+$0x0] =	vst.idx.msk $0xffff, v26  }
0x57: {  	v29 =	vor.u32 v37, v28;
	v26 =	vld.idx.msk [tilespmem:v30+s15+$0x0], $0xffff  }
0x58: {  	v30 =	vor.u32 v23, v31;
	_ =	sdelay $0x3  }
0x59: {  	[tilespmem:v29+s21+$0x0] =	vst.idx.msk $0xffff, v26  }
0x5a: {  	v29 =	vor.u32 v38, v28;
	v26 =	vld.idx.msk [tilespmem:v30+s15+$0x0], $0xffff  }
0x5b: {  	v30 =	vor.u32 v24, v31;
	_ =	sdelay $0x3  }
0x5c: {  	[tilespmem:v29+s21+$0x0] =	vst.idx.msk $0xffff, v26  }
0x5d: {  	v29 =	vld.idx.msk [tilespmem:v30+s15+$0x0], $0xffff;
	v30 =	vor.u32 v39, v28  }
0x5e: {  	s31 =	simm.s32 $0x1;
	v26 =	vor.u32 v25, v31  }
0x5f: {  	s1 =	sand.u32 $0xF, s31;
	s0 =	simm.s32 $0x2  }
.LBB2_3:
0x60: {  	p1 =	sne.s32 s0, $0x3F;
	v31 =	vadd.s32 s1, v0  }
0x61: {  	s1 =	sand.u32 $0x30, s31;
	s31 =	smov.u32 s0;
	v32 =	vand.u32 $0xF, v31  }
0x62: {  	v32 =	vor.u32 s1, v32;
	[tilespmem:v30+s21+$0x0] =	vst.idx.msk $0xffff, v29  }
0x63: {  	v30 =	vand.u32 $0x7, v31;
	v29 =	vand.u32 $0x38, v32;
	v33 =	vld.idx.msk [tilespmem:v26+s15+$0x0], $0xffff  }
0x64: {  	v27 =	vor.u32 v27, v28;
	v26 =	vor.u32 v30, v29  }
0x65: {  	v28 =	vor.u32 v1, v26;
	_ =	sdelay $0x2  }
0x66: {  	v29 =	vshll.u32 v31, $0x7;
	v30 =	vshll.u32 v32, $0x8  }
0x67: {  	v31 =	vor.u32 v0, v29;
	v30 =	vand.u32 $0x3800, v30;
	[tilespmem:v27+s21+$0x0] =	vst.idx.msk $0xffff, v33  }
0x68: {  	v31 =	vand.u32 $0x388, v31;
	v27 =	vld.idx.msk [tilespmem:v28+s15+$0x0], $0xffff;
	v28 =	vor.u32 v2, v30  }
0x69: {  	v32 =	vor.u32 v31, v28  }
0x6a: {  	v33 =	vor.u32 v3, v26;
	_ =	sdelay $0x3  }
0x6b: {  	[tilespmem:v32+s21+$0x0] =	vst.idx.msk $0xffff, v27;
	v27 =	vor.u32 v4, v29  }
0x6c: {  	v32 =	vld.idx.msk [tilespmem:v33+s15+$0x0], $0xffff;
	v33 =	vand.u32 $0x398, v27  }
0x6d: {  	v27 =	vor.u32 v33, v28  }
0x6e: {  	v34 =	vor.u32 v5, v26;
	_ =	sdelay $0x3  }
0x6f: {  	[tilespmem:v27+s21+$0x0] =	vst.idx.msk $0xffff, v32;
	v27 =	vor.u32 v6, v29  }
0x70: {  	v32 =	vld.idx.msk [tilespmem:v34+s15+$0x0], $0xffff;
	v34 =	vand.u32 $0x3A8, v27  }
0x71: {  	v27 =	vor.u32 v34, v28  }
0x72: {  	v35 =	vor.u32 v7, v26;
	_ =	sdelay $0x3  }
0x73: {  	[tilespmem:v27+s21+$0x0] =	vst.idx.msk $0xffff, v32;
	v27 =	vor.u32 v8, v29  }
0x74: {  	v32 =	vld.idx.msk [tilespmem:v35+s15+$0x0], $0xffff;
	v35 =	vand.u32 $0x3B8, v27  }
0x75: {  	v27 =	vor.u32 v35, v28  }
0x76: {  	v36 =	vor.u32 v9, v26;
	_ =	sdelay $0x3  }
0x77: {  	[tilespmem:v27+s21+$0x0] =	vst.idx.msk $0xffff, v32;
	v27 =	vor.u32 v10, v29  }
0x78: {  	v32 =	vld.idx.msk [tilespmem:v36+s15+$0x0], $0xffff;
	v36 =	vand.u32 $0x3C8, v27  }
0x79: {  	v27 =	vor.u32 v36, v28  }
0x7a: {  	v37 =	vor.u32 v11, v26;
	_ =	sdelay $0x3  }
0x7b: {  	[tilespmem:v27+s21+$0x0] =	vst.idx.msk $0xffff, v32;
	v27 =	vor.u32 v12, v29  }
0x7c: {  	v32 =	vld.idx.msk [tilespmem:v37+s15+$0x0], $0xffff;
	v37 =	vand.u32 $0x3D8, v27  }
0x7d: {  	v27 =	vor.u32 v37, v28  }
0x7e: {  	v38 =	vor.u32 v13, v26;
	_ =	sdelay $0x3  }
0x7f: {  	[tilespmem:v27+s21+$0x0] =	vst.idx.msk $0xffff, v32;
	v27 =	vor.u32 v14, v29  }
0x80: {  	v32 =	vld.idx.msk [tilespmem:v38+s15+$0x0], $0xffff;
	v38 =	vand.u32 $0x3E8, v27  }
0x81: {  	v27 =	vor.u32 v38, v28  }
0x82: {  	v39 =	vor.u32 v15, v26;
	_ =	sdelay $0x3  }
0x83: {  	[tilespmem:v27+s21+$0x0] =	vst.idx.msk $0xffff, v32;
	v27 =	vor.u32 v16, v29  }
0x84: {  	v29 =	vld.idx.msk [tilespmem:v39+s15+$0x0], $0xffff;
	v27 =	vand.u32 $0x3F8, v27  }
0x85: {  	v28 =	vor.u32 v27, v28  }
0x86: {  	v32 =	vor.u32 v17, v26;
	_ =	sdelay $0x3  }
0x87: {  	[tilespmem:v28+s21+$0x0] =	vst.idx.msk $0xffff, v29  }
0x88: {  	v28 =	vor.u32 v18, v30;
	v29 =	vld.idx.msk [tilespmem:v32+s15+$0x0], $0xffff  }
0x89: {  	v30 =	vor.u32 v31, v28  }
0x8a: {  	v31 =	vor.u32 v19, v26;
	_ =	sdelay $0x3  }
0x8b: {  	[tilespmem:v30+s21+$0x0] =	vst.idx.msk $0xffff, v29  }
0x8c: {  	v29 =	vld.idx.msk [tilespmem:v31+s15+$0x0], $0xffff  }
0x8d: {  	v30 =	vor.u32 v33, v28  }
0x8e: {  	v31 =	vor.u32 v20, v26;
	_ =	sdelay $0x3  }
0x8f: {  	[tilespmem:v30+s21+$0x0] =	vst.idx.msk $0xffff, v29  }
0x90: {  	v29 =	vld.idx.msk [tilespmem:v31+s15+$0x0], $0xffff  }
0x91: {  	v30 =	vor.u32 v34, v28  }
0x92: {  	v31 =	vor.u32 v21, v26;
	_ =	sdelay $0x3  }
0x93: {  	[tilespmem:v30+s21+$0x0] =	vst.idx.msk $0xffff, v29  }
0x94: {  	v29 =	vld.idx.msk [tilespmem:v31+s15+$0x0], $0xffff  }
0x95: {  	v30 =	vor.u32 v35, v28  }
0x96: {  	v31 =	vor.u32 v22, v26;
	_ =	sdelay $0x3  }
0x97: {  	[tilespmem:v30+s21+$0x0] =	vst.idx.msk $0xffff, v29  }
0x98: {  	v29 =	vld.idx.msk [tilespmem:v31+s15+$0x0], $0xffff  }
0x99: {  	v30 =	vor.u32 v36, v28  }
0x9a: {  	v31 =	vor.u32 v23, v26;
	_ =	sdelay $0x3  }
0x9b: {  	[tilespmem:v30+s21+$0x0] =	vst.idx.msk $0xffff, v29  }
0x9c: {  	v29 =	vld.idx.msk [tilespmem:v31+s15+$0x0], $0xffff  }
0x9d: {  	v30 =	vor.u32 v37, v28  }
0x9e: {  	v31 =	vor.u32 v24, v26;
	_ =	sdelay $0x3  }
.Ltmp0:
0x9f: {  	[tilespmem:v30+s21+$0x0] =	vst.idx.msk $0xffff, v29;
	(pc) =	sbr.rel @p1 .LBB2_3-.Ltmp0, $4  }
0xa0: {  	v29 =	vld.idx.msk [tilespmem:v31+s15+$0x0], $0xffff  }
0xa1: {  	v30 =	vor.u32 v38, v28  }
0xa2: {  	v26 =	vor.u32 v25, v26  }
0xa3: {  	s0 =	sadd.s32 $0x1, s0;
	s1 =	sand.u32 $0xF, s31  }
0xa4: {  	_ = 	snop  }
0xa5: {  	v31 =	vadd.s32 s1, v0  }
0xa6: {  	s0 =	sand.u32 $0x30, s31;
	v32 =	vand.u32 $0xF, v31  }
0xa7: {  	v32 =	vor.u32 s0, v32  }
0xa8: {  	[tilespmem:v30+s21+$0x0] =	vst.idx.msk $0xffff, v29;
	v30 =	vand.u32 $0x7, v31;
	v29 =	vand.u32 $0x38, v32  }
0xa9: {  	v27 =	vor.u32 v27, v28;
	v26 =	vld.idx.msk [tilespmem:v26+s15+$0x0], $0xffff;
	v29 =	vor.u32 v30, v29  }
0xaa: {  	v28 =	vor.u32 v1, v29;
	_ =	sdelay $0x1  }
0xab: {  	v30 =	vshll.u32 v31, $0x7;
	v31 =	vshll.u32 v32, $0x8  }
0xac: {  	v51 =	vor.u32 v0, v30;
	v31 =	vand.u32 $0x3800, v31  }
0xad: {  	[tilespmem:v27+s21+$0x0] =	vst.idx.msk $0xffff, v26;
	v26 =	vand.u32 $0x388, v51;
	v27 =	vor.u32 v2, v31  }
0xae: {  	v32 =	vor.u32 v26, v27;
	v28 =	vld.idx.msk [tilespmem:v28+s15+$0x0], $0xffff  }
0xaf: {  	v33 =	vor.u32 v3, v29;
	_ =	sdelay $0x2  }
0xb0: {  	v34 =	vor.u32 v4, v30  }
0xb1: {  	[tilespmem:v32+s21+$0x0] =	vst.idx.msk $0xffff, v28;
	v28 =	vand.u32 $0x398, v34  }
0xb2: {  	v32 =	vld.idx.msk [tilespmem:v33+s15+$0x0], $0xffff;
	v52 =	vor.u32 v28, v27  }
0xb3: {  	v53 =	vor.u32 v5, v29;
	_ =	sdelay $0x2  }
0xb4: {  	v35 =	vor.u32 v6, v30  }
0xb5: {  	v54 =	vand.u32 $0x3A8, v35;
	[tilespmem:v52+s21+$0x0] =	vst.idx.msk $0xffff, v32  }
0xb6: {  	v55 =	vor.u32 v54, v27;
	v33 =	vld.idx.msk [tilespmem:v53+s15+$0x0], $0xffff  }
0xb7: {  	v56 =	vor.u32 v7, v29;
	_ =	sdelay $0x2  }
0xb8: {  	v36 =	vor.u32 v8, v30  }
0xb9: {  	v57 =	vand.u32 $0x3B8, v36;
	[tilespmem:v55+s21+$0x0] =	vst.idx.msk $0xffff, v33  }
0xba: {  	v58 =	vor.u32 v57, v27;
	v34 =	vld.idx.msk [tilespmem:v56+s15+$0x0], $0xffff  }
0xbb: {  	v59 =	vor.u32 v9, v29;
	_ =	sdelay $0x2  }
0xbc: {  	v37 =	vor.u32 v10, v30  }
0xbd: {  	v60 =	vand.u32 $0x3C8, v37;
	[tilespmem:v58+s21+$0x0] =	vst.idx.msk $0xffff, v34  }
0xbe: {  	v61 =	vor.u32 v60, v27;
	v35 =	vld.idx.msk [tilespmem:v59+s15+$0x0], $0xffff  }
0xbf: {  	v62 =	vor.u32 v11, v29;
	_ =	sdelay $0x2  }
0xc0: {  	v38 =	vor.u32 v12, v30  }
0xc1: {  	v63 =	vand.u32 $0x3D8, v38;
	[tilespmem:v61+s21+$0x0] =	vst.idx.msk $0xffff, v35  }
0xc2: {  	v42 =	vor.u32 v63, v27;
	v36 =	vld.idx.msk [tilespmem:v62+s15+$0x0], $0xffff  }
0xc3: {  	v43 =	vor.u32 v13, v29;
	_ =	sdelay $0x2  }
0xc4: {  	v39 =	vor.u32 v14, v30  }
0xc5: {  	v44 =	vand.u32 $0x3E8, v39;
	[tilespmem:v42+s21+$0x0] =	vst.idx.msk $0xffff, v36  }
0xc6: {  	v45 =	vor.u32 v44, v27;
	v37 =	vld.idx.msk [tilespmem:v43+s15+$0x0], $0xffff  }
0xc7: {  	v46 =	vor.u32 v15, v29;
	_ =	sdelay $0x2  }
0xc8: {  	v30 =	vor.u32 v16, v30  }
0xc9: {  	v30 =	vand.u32 $0x3F8, v30;
	[tilespmem:v45+s21+$0x0] =	vst.idx.msk $0xffff, v37  }
0xca: {  	v27 =	vor.u32 v30, v27;
	v37 =	vld.idx.msk [tilespmem:v46+s15+$0x0], $0xffff  }
0xcb: {  	v47 =	vor.u32 v17, v29;
	_ =	sdelay $0x3  }
0xcc: {  	[tilespmem:v27+s21+$0x0] =	vst.idx.msk $0xffff, v37;
	v27 =	vor.u32 v18, v31  }
0xcd: {  	v31 =	vld.idx.msk [tilespmem:v47+s15+$0x0], $0xffff;
	v26 =	vor.u32 v26, v27  }
0xce: {  	v48 =	vor.u32 v19, v29;
	_ =	sdelay $0x3  }
0xcf: {  	[tilespmem:v26+s21+$0x0] =	vst.idx.msk $0xffff, v31  }
0xd0: {  	v28 =	vor.u32 v28, v27;
	v26 =	vld.idx.msk [tilespmem:v48+s15+$0x0], $0xffff  }
0xd1: {  	v31 =	vor.u32 v20, v29;
	_ =	sdelay $0x3  }
0xd2: {  	[tilespmem:v28+s21+$0x0] =	vst.idx.msk $0xffff, v26  }
0xd3: {  	v28 =	vor.u32 v54, v27;
	v26 =	vld.idx.msk [tilespmem:v31+s15+$0x0], $0xffff  }
0xd4: {  	v31 =	vor.u32 v21, v29;
	_ =	sdelay $0x3  }
0xd5: {  	[tilespmem:v28+s21+$0x0] =	vst.idx.msk $0xffff, v26  }
0xd6: {  	v28 =	vor.u32 v57, v27;
	v26 =	vld.idx.msk [tilespmem:v31+s15+$0x0], $0xffff  }
0xd7: {  	v31 =	vor.u32 v22, v29;
	_ =	sdelay $0x3  }
0xd8: {  	[tilespmem:v28+s21+$0x0] =	vst.idx.msk $0xffff, v26  }
0xd9: {  	v28 =	vor.u32 v60, v27;
	v26 =	vld.idx.msk [tilespmem:v31+s15+$0x0], $0xffff  }
0xda: {  	v31 =	vor.u32 v23, v29;
	_ =	sdelay $0x3  }
0xdb: {  	[tilespmem:v28+s21+$0x0] =	vst.idx.msk $0xffff, v26  }
0xdc: {  	v28 =	vor.u32 v63, v27;
	v26 =	vld.idx.msk [tilespmem:v31+s15+$0x0], $0xffff  }
0xdd: {  	v31 =	vor.u32 v24, v29;
	_ =	sdelay $0x3  }
0xde: {  	[tilespmem:v28+s21+$0x0] =	vst.idx.msk $0xffff, v26  }
0xdf: {  	v28 =	vor.u32 v44, v27;
	v26 =	vld.idx.msk [tilespmem:v31+s15+$0x0], $0xffff  }
0xe0: {  	v29 =	vor.u32 v25, v29;
	_ =	sdelay $0x3  }
0xe1: {  	[tilespmem:v28+s21+$0x0] =	vst.idx.msk $0xffff, v26  }
0xe2: {  	v27 =	vor.u32 v30, v27;
	v26 =	vld.idx.msk [tilespmem:v29+s15+$0x0], $0xffff;
	_ =	sdelay $0x1  }
0xe3: {  	s31 =	sshll.u32 s30, $0x14  }
0xe4: {  	s0 =	sor.u32 s8, s31  }
0xe5: {  	s30 =	sshrl.u32 s0, $0x3  }
0xe6: {  	s0 =	sadd.s32 s2, s30;
	[tilespmem:v27+s21+$0x0] =	vst.idx.msk $0xffff, v26  }
0xe7: {  	[hbm4b:s0+s22] =	stream.strided.scatter [tilespmem:s21], [sflag:$0x3], $0x4000, s23, s22, $0x38;
	[tilespmem:$0x10200] =	vst v63  }
0xe8: {  	_ =	swait.ge [sflag:s17], $0x2000  }
0xe9: {  	[sflag:s17] =	ssyncset.done $0x0  }
0xea: {  	[sflag:s17] =	ssyncadd.s32 $0xFFFFE000  }
0xeb: {  	_ =	swait.ge [sflag:s17], $0x2000  }
0xec: {  	[sflag:s17] =	ssyncset.done $0x0  }
0xed: {  	[sflag:s17] =	ssyncadd.s32 $0xFFFFE000  }
0xee: {  	_ =	swait.ge [sflag:s24], $0x4000  }
0xef: {  	[sflag:s24] =	ssyncset.done $0x0  }
0xf0: {  	s1 =	simm.s32 $0x0;
	s0 =	simm.s32 @!p0 $0x1;
	[sflag:s24] =	ssyncadd.s32 $0xFFFFC000  }
0xf1: {  	s31 =	sand.u32 $0xF, s1;
	_ =	swait.ge @!p0 [sflag:s0], $0x100  }
0xf2: {  	v26 =	vadd.s32 s31, v0;
	[sflag:s0] =	ssyncset.done @!p0 $0x0  }
0xf3: {  	v27 =	vand.u32 $0xF, v26;
	[sflag:s0] =	ssyncadd.s32 @!p0 $0xFFFFFF00;
	s0 =	sand.u32 $0x30, s1  }
0xf4: {  	s31 =	simm.s32 @!p0 $0x0;
	s1 =	simm.s32 @!p0 $0x80;
	v27 =	vor.u32 s0, v27;
	s0 =	simm.s32 @!p0 $0x200  }
0xf5: {  	v29 =	vand.u32 $0x7, v26;
	[tilespmem:s0], [sflag:$0x2] =	stream.indirect.gather @!p0 [hbm4b:s4+s1], $0x40, s31, s1, $0xb8;
	v28 =	vand.u32 $0x38, v27;
	[tilespmem:$0x10200] =	vst v63  }
0xf6: {  	s0 =	simm.s32 @!p0 $0x2200;
	v31 =	vor.u32 v29, v28  }
0xf7: {  	[tilespmem:s0], [sflag:$0x2] =	stream.indirect.gather @!p0 [hbm4b:s4+s1], $0x40, s1, s1, $0xb8;
	v28 =	vor.u32 v1, v31;
	[tilespmem:$0x10200] =	vst v63  }
0xf8: {  	s0 =	sor.u32 @!p0 s7, s29  }
0xf9: {  	v26 =	vshll.u32 v26, $0x7;
	v27 =	vshll.u32 v27, $0x8;
	s0 =	sshrl.u32 @!p0 s0, $0x3  }
0xfa: {  	v29 =	vor.u32 v0, v26;
	v30 =	vand.u32 $0x3800, v27;
	s1 =	simm.s32 @!p0 $0x100;
	s0 =	sadd.s32 @!p0 s6, s0  }
0xfb: {  	v29 =	vand.u32 $0x388, v29;
	v49 =	vor.u32 v2, v30;
	[tilespmem:s1], [sflag:$0x1] =	stream.linear.gather @!p0 [hbm4b:s0+s31], $0x100, $0x38;
	[tilespmem:$0x10200] =	vst v63  }
0xfc: {  	v27 =	vld.idx.msk [tilespmem:v28+s18+$0x0], $0xffff;
	v28 =	vor.u32 v29, v49  }
0xfd: {  	v50 =	vor.u32 v3, v31;
	_ =	sdelay $0x2  }
0xfe: {  	v51 =	vor.u32 v4, v26  }
0xff: {  	v34 =	vand.u32 $0x398, v51;
	[tilespmem:v28+s25+$0x0] =	vst.idx.msk $0xffff, v27  }
0x100: {  	v28 =	vor.u32 v34, v49;
	v27 =	vld.idx.msk [tilespmem:v50+s18+$0x0], $0xffff  }
0x101: {  	v52 =	vor.u32 v5, v31;
	_ =	sdelay $0x2  }
0x102: {  	v53 =	vor.u32 v6, v26  }
0x103: {  	v35 =	vand.u32 $0x3A8, v53;
	[tilespmem:v28+s25+$0x0] =	vst.idx.msk $0xffff, v27  }
0x104: {  	v28 =	vor.u32 v35, v49;
	v27 =	vld.idx.msk [tilespmem:v52+s18+$0x0], $0xffff  }
0x105: {  	v54 =	vor.u32 v7, v31;
	_ =	sdelay $0x2  }
0x106: {  	v55 =	vor.u32 v8, v26  }
0x107: {  	v36 =	vand.u32 $0x3B8, v55;
	[tilespmem:v28+s25+$0x0] =	vst.idx.msk $0xffff, v27  }
0x108: {  	v28 =	vor.u32 v36, v49;
	v27 =	vld.idx.msk [tilespmem:v54+s18+$0x0], $0xffff  }
0x109: {  	v56 =	vor.u32 v9, v31;
	_ =	sdelay $0x2  }
0x10a: {  	v57 =	vor.u32 v10, v26  }
0x10b: {  	v37 =	vand.u32 $0x3C8, v57;
	[tilespmem:v28+s25+$0x0] =	vst.idx.msk $0xffff, v27  }
0x10c: {  	v28 =	vor.u32 v37, v49;
	v27 =	vld.idx.msk [tilespmem:v56+s18+$0x0], $0xffff  }
0x10d: {  	v58 =	vor.u32 v11, v31;
	_ =	sdelay $0x2  }
0x10e: {  	v59 =	vor.u32 v12, v26  }
0x10f: {  	v38 =	vand.u32 $0x3D8, v59;
	[tilespmem:v28+s25+$0x0] =	vst.idx.msk $0xffff, v27  }
0x110: {  	v28 =	vor.u32 v38, v49;
	v27 =	vld.idx.msk [tilespmem:v58+s18+$0x0], $0xffff  }
0x111: {  	v60 =	vor.u32 v13, v31;
	_ =	sdelay $0x2  }
0x112: {  	v61 =	vor.u32 v14, v26  }
0x113: {  	v39 =	vand.u32 $0x3E8, v61;
	[tilespmem:v28+s25+$0x0] =	vst.idx.msk $0xffff, v27  }
0x114: {  	v28 =	vor.u32 v39, v49;
	v27 =	vld.idx.msk [tilespmem:v60+s18+$0x0], $0xffff  }
0x115: {  	v62 =	vor.u32 v15, v31;
	_ =	sdelay $0x2  }
0x116: {  	v26 =	vor.u32 v16, v26  }
0x117: {  	[tilespmem:v28+s25+$0x0] =	vst.idx.msk $0xffff, v27;
	v27 =	vand.u32 $0x3F8, v26  }
0x118: {  	v26 =	vld.idx.msk [tilespmem:v62+s18+$0x0], $0xffff;
	v28 =	vor.u32 v27, v49  }
0x119: {  	v63 =	vor.u32 v17, v31;
	_ =	sdelay $0x3  }
0x11a: {  	[tilespmem:v28+s25+$0x0] =	vst.idx.msk $0xffff, v26;
	v28 =	vor.u32 v18, v30  }
0x11b: {  	v26 =	vld.idx.msk [tilespmem:v63+s18+$0x0], $0xffff;
	v29 =	vor.u32 v29, v28  }
0x11c: {  	v30 =	vor.u32 v19, v31;
	_ =	sdelay $0x3  }
0x11d: {  	[tilespmem:v29+s25+$0x0] =	vst.idx.msk $0xffff, v26  }
0x11e: {  	v29 =	vor.u32 v34, v28;
	v26 =	vld.idx.msk [tilespmem:v30+s18+$0x0], $0xffff  }
0x11f: {  	v30 =	vor.u32 v20, v31;
	_ =	sdelay $0x3  }
0x120: {  	[tilespmem:v29+s25+$0x0] =	vst.idx.msk $0xffff, v26  }
0x121: {  	v29 =	vor.u32 v35, v28;
	v26 =	vld.idx.msk [tilespmem:v30+s18+$0x0], $0xffff  }
0x122: {  	v30 =	vor.u32 v21, v31;
	_ =	sdelay $0x3  }
0x123: {  	[tilespmem:v29+s25+$0x0] =	vst.idx.msk $0xffff, v26  }
0x124: {  	v29 =	vor.u32 v36, v28;
	v26 =	vld.idx.msk [tilespmem:v30+s18+$0x0], $0xffff  }
0x125: {  	v30 =	vor.u32 v22, v31;
	_ =	sdelay $0x3  }
0x126: {  	[tilespmem:v29+s25+$0x0] =	vst.idx.msk $0xffff, v26  }
0x127: {  	v29 =	vor.u32 v37, v28;
	v26 =	vld.idx.msk [tilespmem:v30+s18+$0x0], $0xffff  }
0x128: {  	v30 =	vor.u32 v23, v31;
	_ =	sdelay $0x3  }
0x129: {  	[tilespmem:v29+s25+$0x0] =	vst.idx.msk $0xffff, v26  }
0x12a: {  	v29 =	vor.u32 v38, v28;
	v26 =	vld.idx.msk [tilespmem:v30+s18+$0x0], $0xffff  }
0x12b: {  	v30 =	vor.u32 v24, v31;
	_ =	sdelay $0x3  }
0x12c: {  	[tilespmem:v29+s25+$0x0] =	vst.idx.msk $0xffff, v26  }
0x12d: {  	v29 =	vld.idx.msk [tilespmem:v30+s18+$0x0], $0xffff;
	v30 =	vor.u32 v39, v28  }
0x12e: {  	s29 =	simm.s32 $0x1;
	v26 =	vor.u32 v25, v31  }
0x12f: {  	s1 =	sand.u32 $0xF, s29;
	s0 =	simm.s32 $0x2  }
.LBB2_5:
0x130: {  	p0 =	sne.s32 s0, $0x3F;
	v31 =	vadd.s32 s1, v0  }
0x131: {  	s1 =	sand.u32 $0x30, s29;
	s29 =	smov.u32 s0;
	v32 =	vand.u32 $0xF, v31  }
0x132: {  	v32 =	vor.u32 s1, v32;
	[tilespmem:v30+s25+$0x0] =	vst.idx.msk $0xffff, v29  }
0x133: {  	v30 =	vand.u32 $0x7, v31;
	v29 =	vand.u32 $0x38, v32;
	v33 =	vld.idx.msk [tilespmem:v26+s18+$0x0], $0xffff  }
0x134: {  	v27 =	vor.u32 v27, v28;
	v26 =	vor.u32 v30, v29  }
0x135: {  	v28 =	vor.u32 v1, v26;
	_ =	sdelay $0x2  }
0x136: {  	v29 =	vshll.u32 v31, $0x7;
	v30 =	vshll.u32 v32, $0x8  }
0x137: {  	v31 =	vor.u32 v0, v29;
	v30 =	vand.u32 $0x3800, v30;
	[tilespmem:v27+s25+$0x0] =	vst.idx.msk $0xffff, v33  }
0x138: {  	v31 =	vand.u32 $0x388, v31;
	v27 =	vld.idx.msk [tilespmem:v28+s18+$0x0], $0xffff;
	v28 =	vor.u32 v2, v30  }
0x139: {  	v32 =	vor.u32 v31, v28  }
0x13a: {  	v33 =	vor.u32 v3, v26;
	_ =	sdelay $0x3  }
0x13b: {  	[tilespmem:v32+s25+$0x0] =	vst.idx.msk $0xffff, v27;
	v27 =	vor.u32 v4, v29  }
0x13c: {  	v32 =	vld.idx.msk [tilespmem:v33+s18+$0x0], $0xffff;
	v33 =	vand.u32 $0x398, v27  }
0x13d: {  	v27 =	vor.u32 v33, v28  }
0x13e: {  	v34 =	vor.u32 v5, v26;
	_ =	sdelay $0x3  }
0x13f: {  	[tilespmem:v27+s25+$0x0] =	vst.idx.msk $0xffff, v32;
	v27 =	vor.u32 v6, v29  }
0x140: {  	v32 =	vld.idx.msk [tilespmem:v34+s18+$0x0], $0xffff;
	v34 =	vand.u32 $0x3A8, v27  }
0x141: {  	v27 =	vor.u32 v34, v28  }
0x142: {  	v35 =	vor.u32 v7, v26;
	_ =	sdelay $0x3  }
0x143: {  	[tilespmem:v27+s25+$0x0] =	vst.idx.msk $0xffff, v32;
	v27 =	vor.u32 v8, v29  }
0x144: {  	v32 =	vld.idx.msk [tilespmem:v35+s18+$0x0], $0xffff;
	v35 =	vand.u32 $0x3B8, v27  }
0x145: {  	v27 =	vor.u32 v35, v28  }
0x146: {  	v36 =	vor.u32 v9, v26;
	_ =	sdelay $0x3  }
0x147: {  	[tilespmem:v27+s25+$0x0] =	vst.idx.msk $0xffff, v32;
	v27 =	vor.u32 v10, v29  }
0x148: {  	v32 =	vld.idx.msk [tilespmem:v36+s18+$0x0], $0xffff;
	v36 =	vand.u32 $0x3C8, v27  }
0x149: {  	v27 =	vor.u32 v36, v28  }
0x14a: {  	v37 =	vor.u32 v11, v26;
	_ =	sdelay $0x3  }
0x14b: {  	[tilespmem:v27+s25+$0x0] =	vst.idx.msk $0xffff, v32;
	v27 =	vor.u32 v12, v29  }
0x14c: {  	v32 =	vld.idx.msk [tilespmem:v37+s18+$0x0], $0xffff;
	v37 =	vand.u32 $0x3D8, v27  }
0x14d: {  	v27 =	vor.u32 v37, v28  }
0x14e: {  	v38 =	vor.u32 v13, v26;
	_ =	sdelay $0x3  }
0x14f: {  	[tilespmem:v27+s25+$0x0] =	vst.idx.msk $0xffff, v32;
	v27 =	vor.u32 v14, v29  }
0x150: {  	v32 =	vld.idx.msk [tilespmem:v38+s18+$0x0], $0xffff;
	v38 =	vand.u32 $0x3E8, v27  }
0x151: {  	v27 =	vor.u32 v38, v28  }
0x152: {  	v39 =	vor.u32 v15, v26;
	_ =	sdelay $0x3  }
0x153: {  	[tilespmem:v27+s25+$0x0] =	vst.idx.msk $0xffff, v32;
	v27 =	vor.u32 v16, v29  }
0x154: {  	v29 =	vld.idx.msk [tilespmem:v39+s18+$0x0], $0xffff;
	v27 =	vand.u32 $0x3F8, v27  }
0x155: {  	v28 =	vor.u32 v27, v28  }
0x156: {  	v32 =	vor.u32 v17, v26;
	_ =	sdelay $0x3  }
0x157: {  	[tilespmem:v28+s25+$0x0] =	vst.idx.msk $0xffff, v29  }
0x158: {  	v28 =	vor.u32 v18, v30;
	v29 =	vld.idx.msk [tilespmem:v32+s18+$0x0], $0xffff  }
0x159: {  	v30 =	vor.u32 v31, v28  }
0x15a: {  	v31 =	vor.u32 v19, v26;
	_ =	sdelay $0x3  }
0x15b: {  	[tilespmem:v30+s25+$0x0] =	vst.idx.msk $0xffff, v29  }
0x15c: {  	v29 =	vld.idx.msk [tilespmem:v31+s18+$0x0], $0xffff  }
0x15d: {  	v30 =	vor.u32 v33, v28  }
0x15e: {  	v31 =	vor.u32 v20, v26;
	_ =	sdelay $0x3  }
0x15f: {  	[tilespmem:v30+s25+$0x0] =	vst.idx.msk $0xffff, v29  }
0x160: {  	v29 =	vld.idx.msk [tilespmem:v31+s18+$0x0], $0xffff  }
0x161: {  	v30 =	vor.u32 v34, v28  }
0x162: {  	v31 =	vor.u32 v21, v26;
	_ =	sdelay $0x3  }
0x163: {  	[tilespmem:v30+s25+$0x0] =	vst.idx.msk $0xffff, v29  }
0x164: {  	v29 =	vld.idx.msk [tilespmem:v31+s18+$0x0], $0xffff  }
0x165: {  	v30 =	vor.u32 v35, v28  }
0x166: {  	v31 =	vor.u32 v22, v26;
	_ =	sdelay $0x3  }
0x167: {  	[tilespmem:v30+s25+$0x0] =	vst.idx.msk $0xffff, v29  }
0x168: {  	v29 =	vld.idx.msk [tilespmem:v31+s18+$0x0], $0xffff  }
0x169: {  	v30 =	vor.u32 v36, v28  }
0x16a: {  	v31 =	vor.u32 v23, v26;
	_ =	sdelay $0x3  }
0x16b: {  	[tilespmem:v30+s25+$0x0] =	vst.idx.msk $0xffff, v29  }
0x16c: {  	v29 =	vld.idx.msk [tilespmem:v31+s18+$0x0], $0xffff  }
0x16d: {  	v30 =	vor.u32 v37, v28  }
0x16e: {  	v31 =	vor.u32 v24, v26;
	_ =	sdelay $0x3  }
.Ltmp1:
0x16f: {  	[tilespmem:v30+s25+$0x0] =	vst.idx.msk $0xffff, v29;
	(pc) =	sbr.rel @p0 .LBB2_5-.Ltmp1, $4  }
0x170: {  	v29 =	vld.idx.msk [tilespmem:v31+s18+$0x0], $0xffff  }
0x171: {  	v30 =	vor.u32 v38, v28  }
0x172: {  	v26 =	vor.u32 v25, v26  }
0x173: {  	s0 =	sadd.s32 $0x1, s0;
	s1 =	sand.u32 $0xF, s29  }
0x174: {  	_ = 	snop  }
0x175: {  	v31 =	vadd.s32 s1, v0  }
0x176: {  	s0 =	sand.u32 $0x30, s29;
	v32 =	vand.u32 $0xF, v31  }
0x177: {  	v32 =	vor.u32 s0, v32  }
0x178: {  	[tilespmem:v30+s25+$0x0] =	vst.idx.msk $0xffff, v29;
	v52 =	vand.u32 $0x7, v31;
	v51 =	vand.u32 $0x38, v32  }
0x179: {  	v27 =	vor.u32 v27, v28;
	v26 =	vld.idx.msk [tilespmem:v26+s18+$0x0], $0xffff;
	v29 =	vor.u32 v52, v51  }
0x17a: {  	v53 =	vor.u32 v1, v29;
	_ =	sdelay $0x1  }
0x17b: {  	v54 =	vshll.u32 v31, $0x7;
	v55 =	vshll.u32 v32, $0x8  }
0x17c: {  	v56 =	vor.u32 v0, v54;
	v31 =	vand.u32 $0x3800, v55  }
0x17d: {  	[tilespmem:v27+s25+$0x0] =	vst.idx.msk $0xffff, v26;
	v26 =	vand.u32 $0x388, v56;
	v27 =	vor.u32 v2, v31  }
0x17e: {  	v32 =	vor.u32 v26, v27;
	v28 =	vld.idx.msk [tilespmem:v53+s18+$0x0], $0xffff  }
0x17f: {  	v33 =	vor.u32 v3, v29;
	_ =	sdelay $0x2  }
0x180: {  	v34 =	vor.u32 v4, v54  }
0x181: {  	v57 =	vand.u32 $0x398, v34;
	[tilespmem:v32+s25+$0x0] =	vst.idx.msk $0xffff, v28  }
0x182: {  	v58 =	vor.u32 v57, v27;
	v32 =	vld.idx.msk [tilespmem:v33+s18+$0x0], $0xffff  }
0x183: {  	v59 =	vor.u32 v5, v29;
	_ =	sdelay $0x2  }
0x184: {  	v35 =	vor.u32 v6, v54  }
0x185: {  	v60 =	vand.u32 $0x3A8, v35;
	[tilespmem:v58+s25+$0x0] =	vst.idx.msk $0xffff, v32  }
0x186: {  	v61 =	vor.u32 v60, v27;
	v33 =	vld.idx.msk [tilespmem:v59+s18+$0x0], $0xffff  }
0x187: {  	v62 =	vor.u32 v7, v29;
	_ =	sdelay $0x2  }
0x188: {  	v36 =	vor.u32 v8, v54  }
0x189: {  	v63 =	vand.u32 $0x3B8, v36;
	[tilespmem:v61+s25+$0x0] =	vst.idx.msk $0xffff, v33  }
0x18a: {  	v40 =	vor.u32 v63, v27;
	v34 =	vld.idx.msk [tilespmem:v62+s18+$0x0], $0xffff  }
0x18b: {  	v41 =	vor.u32 v9, v29;
	_ =	sdelay $0x2  }
0x18c: {  	v37 =	vor.u32 v10, v54  }
0x18d: {  	v42 =	vand.u32 $0x3C8, v37;
	[tilespmem:v40+s25+$0x0] =	vst.idx.msk $0xffff, v34  }
0x18e: {  	v43 =	vor.u32 v42, v27;
	v35 =	vld.idx.msk [tilespmem:v41+s18+$0x0], $0xffff  }
0x18f: {  	v44 =	vor.u32 v11, v29;
	_ =	sdelay $0x2  }
0x190: {  	v38 =	vor.u32 v12, v54  }
0x191: {  	v45 =	vand.u32 $0x3D8, v38;
	[tilespmem:v43+s25+$0x0] =	vst.idx.msk $0xffff, v35  }
0x192: {  	v46 =	vor.u32 v45, v27;
	v36 =	vld.idx.msk [tilespmem:v44+s18+$0x0], $0xffff  }
0x193: {  	v47 =	vor.u32 v13, v29;
	_ =	sdelay $0x2  }
0x194: {  	v39 =	vor.u32 v14, v54  }
0x195: {  	v48 =	vand.u32 $0x3E8, v39;
	[tilespmem:v46+s25+$0x0] =	vst.idx.msk $0xffff, v36  }
0x196: {  	v49 =	vor.u32 v48, v27;
	v37 =	vld.idx.msk [tilespmem:v47+s18+$0x0], $0xffff  }
0x197: {  	v50 =	vor.u32 v15, v29;
	_ =	sdelay $0x2  }
0x198: {  	v30 =	vor.u32 v16, v54  }
0x199: {  	v30 =	vand.u32 $0x3F8, v30;
	[tilespmem:v49+s25+$0x0] =	vst.idx.msk $0xffff, v37  }
0x19a: {  	v27 =	vor.u32 v30, v27;
	v37 =	vld.idx.msk [tilespmem:v50+s18+$0x0], $0xffff  }
0x19b: {  	v51 =	vor.u32 v17, v29;
	_ =	sdelay $0x3  }
0x19c: {  	[tilespmem:v27+s25+$0x0] =	vst.idx.msk $0xffff, v37;
	v27 =	vor.u32 v18, v31  }
0x19d: {  	v52 =	vld.idx.msk [tilespmem:v51+s18+$0x0], $0xffff;
	v26 =	vor.u32 v26, v27  }
0x19e: {  	v53 =	vor.u32 v19, v29;
	_ =	sdelay $0x3  }
0x19f: {  	[tilespmem:v26+s25+$0x0] =	vst.idx.msk $0xffff, v52  }
0x1a0: {  	v28 =	vor.u32 v57, v27;
	v26 =	vld.idx.msk [tilespmem:v53+s18+$0x0], $0xffff  }
0x1a1: {  	v54 =	vor.u32 v20, v29;
	_ =	sdelay $0x3  }
0x1a2: {  	[tilespmem:v28+s25+$0x0] =	vst.idx.msk $0xffff, v26  }
0x1a3: {  	v55 =	vor.u32 v60, v27;
	v26 =	vld.idx.msk [tilespmem:v54+s18+$0x0], $0xffff  }
0x1a4: {  	v56 =	vor.u32 v21, v29;
	_ =	sdelay $0x3  }
0x1a5: {  	[tilespmem:v55+s25+$0x0] =	vst.idx.msk $0xffff, v26  }
0x1a6: {  	v57 =	vor.u32 v63, v27;
	v26 =	vld.idx.msk [tilespmem:v56+s18+$0x0], $0xffff  }
0x1a7: {  	v58 =	vor.u32 v22, v29;
	_ =	sdelay $0x3  }
0x1a8: {  	[tilespmem:v57+s25+$0x0] =	vst.idx.msk $0xffff, v26  }
0x1a9: {  	v59 =	vor.u32 v42, v27;
	v26 =	vld.idx.msk [tilespmem:v58+s18+$0x0], $0xffff  }
0x1aa: {  	v60 =	vor.u32 v23, v29;
	_ =	sdelay $0x3  }
0x1ab: {  	[tilespmem:v59+s25+$0x0] =	vst.idx.msk $0xffff, v26  }
0x1ac: {  	v61 =	vor.u32 v45, v27;
	v26 =	vld.idx.msk [tilespmem:v60+s18+$0x0], $0xffff  }
0x1ad: {  	v62 =	vor.u32 v24, v29;
	_ =	sdelay $0x3  }
0x1ae: {  	[tilespmem:v61+s25+$0x0] =	vst.idx.msk $0xffff, v26  }
0x1af: {  	v63 =	vor.u32 v48, v27;
	v26 =	vld.idx.msk [tilespmem:v62+s18+$0x0], $0xffff  }
0x1b0: {  	v29 =	vor.u32 v25, v29;
	_ =	sdelay $0x3  }
0x1b1: {  	[tilespmem:v63+s25+$0x0] =	vst.idx.msk $0xffff, v26  }
0x1b2: {  	v27 =	vor.u32 v30, v27;
	v26 =	vld.idx.msk [tilespmem:v29+s18+$0x0], $0xffff  }
0x1b3: {  	p0 =	sne.s32 s28, $0xC8  }
.Ltmp2:
0x1b4: {  	_ = 	snop;
	(pc) =	sbr.rel @p0 .LBB2_2-.Ltmp2, $4  }
0x1b5: {  	_ = 	snop  }
0x1b6: {  	s31 =	sadd.s32 s30, s2  }
0x1b7: {  	s30 =	smov.u32 s28;
	s0 =	sadd.s32 $0x100, s31;
	[tilespmem:v27+s25+$0x0] =	vst.idx.msk $0xffff, v26  }
0x1b8: {  	[hbm4b:s0+s22] =	stream.strided.scatter [tilespmem:s25], [sflag:$0x3], $0x4000, s23, s22, $0x38;
	[tilespmem:$0x10200] =	vst v63  }
0x1b9: {  	s26 =	sadd.s32 $0x1, s26  }
0x1ba: {  	p0 =	sne.s32 s26, s11  }
.Ltmp3:
0x1bb: {  	_ = 	snop;
	(pc) =	sbr.rel @p0 .LBB2_1-.Ltmp3, $4  }
0x1bc: {  	_ = 	snop  }
0x1bd: {  	_ =	swait.ge [sflag:s24], $0x4000  }
0x1be: {  	[sflag:s24] =	ssyncset.done $0x0  }
0x1bf: {  	[sflag:s24] =	ssyncadd.s32 $0xFFFFC000  }
0x1c0: {  	_ =	sfence.sel $0x180000  }
0x1c1: {  	[bflag:$0x0] =	sbarrier.arrive $0xFFFF  }
0x1c2: {  	_ =	strace $0x90000047  }
0x1c3: {  	s0 =	stileid.u32;
	[bflag:$0x2] =	sbarrier.arrive $0xFFFF  }
0x1c4: {  	p0 =	sne.s32 s0, $0x0;
	s0 =	rddreg [dreg:$0x2]  }
0x1c5: {  	s0 =	sadd.s32 @!p0 $0x100000, s0  }
0x1c6: {  	[sflag:s0] =	ssyncadd.tile.s32 @!p0 $0x1;
	_ =	shalt  }
.Lfunc_end2:
_tile_overlayer_lowered:
.L_overlay_start_2:
0x1c7: {  	(tag) =	ssettag $0x2  }
0x1c8: {  	s0 =	rddreg [dreg:$0x0];
	s2 =	stileid.u32  }
0x1c9: {  	s1 =	rddreg [dreg:$0x1];
	p0 =	sne.s32 s2, $0x0  }
0x1ca: {  	s3 =	rddreg [dreg:$0x2];
	[bflag:$0x3] =	sbarrier.arrive $0xFFFF;
	s2 =	simm.s32 @!p0 $0x1C04  }
0x1cb: {  	[timem:s3], [sflag:s2] =	dma.local @!p0 [hbm:s0], s1  }
0x1cc: {  	s0 =	simm.s32 @!p0 $0x4  }
0x1cd: {  	_ =	swait.ge @!p0 [sflag:s0], s1  }
0x1ce: {  	s1 =	ssub.s32 @!p0 $0x0, s1;
	[sflag:s0] =	ssyncset.done @!p0 $0x0  }
0x1cf: {  	[sflag:s0] =	ssyncadd.s32 @!p0 s1  }
0x1d0: {  	[bflag:$0x3] =	sbarrier.arrive $0xFFFF  }
0x1d1: {  	_ =	shalt  }

</sc_bundles>
